<compile_context>
chip_gen: v7x
topology: tpu7x:2x2x1
jax: 0.10.2.dev20260603
libtpu: 0.0.44.dev20260713+nightly
codegen_flags: <defaults>
</compile_context>

<pallas_src>
import functools

import jax
import jax.numpy as jnp
from jax import lax
from jax.experimental import pallas as pl
from jax.experimental.pallas import tpu as pltpu
from jax.experimental.pallas import tpu_sc as plsc

N = 10000
B = 16384
E = 320000
D_DRUG = 128
D_PROT = 256
H = 128
CW = 8
CH = 256
NTILES = 16
NACC = 10240
ZROWS = NACC // NTILES
NI = 80
ECHP = NI * NTILES
EPAD = ECHP * CH
GCH = B // (NTILES * CH)
ZBLK = 128



_PROJ_BLK = 2000


def _proj_body(dx, px, wd, bd, wp, bp, out):
    f32 = jnp.float32
    out[0] = jnp.dot(dx[...], wd[...], preferred_element_type=f32) + bd[...]
    out[1] = jnp.dot(px[...], wp[...], preferred_element_type=f32) + bp[...]


def _project(drug_x, protein_x, W_dlin, b_dlin, W_plin, b_plin):
    return pl.pallas_call(
        _proj_body,
        grid=(N // _PROJ_BLK,),
        in_specs=[
            pl.BlockSpec((_PROJ_BLK, D_DRUG), lambda i: (i, 0)),
            pl.BlockSpec((_PROJ_BLK, D_PROT), lambda i: (i, 0)),
            pl.BlockSpec((D_DRUG, H), lambda i: (0, 0)),
            pl.BlockSpec((1, H), lambda i: (0, 0)),
            pl.BlockSpec((D_PROT, H), lambda i: (0, 0)),
            pl.BlockSpec((1, H), lambda i: (0, 0)),
        ],
        out_specs=pl.BlockSpec((2, _PROJ_BLK, H), lambda i: (0, i, 0)),
        out_shape=jax.ShapeDtypeStruct((2, N, H), jnp.float32),
    )(drug_x, protein_x, W_dlin, b_dlin.reshape(1, H), W_plin,
      b_plin.reshape(1, H))




def _sc_body(table, esd, gtid, gaid, zrows, zcnt, ones_hbm,
             accg, tabg, cntg, acc_sh, cnt_sh, idx_v, rows_v, cnt_v, sem_r):
    c = lax.axis_index("c")
    s = lax.axis_index("s")
    ebase = s * NI

    pltpu.sync_copy(zrows, rows_v.at[pl.ds(0, ZBLK)])
    pltpu.sync_copy(zcnt, cnt_v.at[pl.ds(0, ZBLK)])
    zbase = s * ZROWS
    for k in range(ZROWS // ZBLK):
        pltpu.sync_copy(rows_v.at[pl.ds(0, ZBLK)],
                        acc_sh.at[pl.ds(zbase + k * ZBLK, ZBLK)])
        pltpu.sync_copy(cnt_v.at[pl.ds(0, ZBLK)],
                        cnt_sh.at[pl.ds(zbase + k * ZBLK, ZBLK)])
    pltpu.sync_copy(ones_hbm, cnt_v)
    plsc.subcore_barrier()

    def edge_chunk(i, carry):
        pltpu.sync_copy(esd.at[c, ebase + i], idx_v)
        pltpu.async_copy(table.at[idx_v.at[0]], rows_v, sem_r).wait()
        pltpu.sync_copy(rows_v, acc_sh.at[idx_v.at[1]], add=True)
        pltpu.sync_copy(cnt_v, cnt_sh.at[idx_v.at[1]], add=True)
        return carry

    lax.fori_loop(0, NI, edge_chunk, 0)

    gbase = s * GCH

    def sample_phase(src, idx_hbm, out_ref, buf):
        for k in range(GCH):
            pltpu.sync_copy(idx_hbm.at[c, gbase + k], idx_v.at[0])
            pltpu.async_copy(src.at[idx_v.at[0]], buf, sem_r).wait()
            pltpu.sync_copy(buf, out_ref.at[c, pl.ds((gbase + k) * CH, CH)])

    sample_phase(table, gtid, tabg, rows_v)
    plsc.subcore_barrier()
    sample_phase(acc_sh, gaid, accg, rows_v)
    sample_phase(cnt_sh, gaid, cntg, cnt_v)


def _segment_gather(table, esd, gtid, gaid, zrows, zcnt, ones_hbm):
    call = pl.kernel(
        _sc_body,
        mesh=plsc.VectorSubcoreMesh(core_axis_name="c", subcore_axis_name="s"),
        compiler_params=pltpu.CompilerParams(use_tc_tiling_on_sc=False),
        out_type=[
            jax.ShapeDtypeStruct((2, B, H), jnp.float32),
            jax.ShapeDtypeStruct((2, B, H), jnp.float32),
            jax.ShapeDtypeStruct((2, B, CW), jnp.float32),
        ],
        scratch_types=[
            pltpu.VMEM_SHARED((NACC, H), jnp.float32),
            pltpu.VMEM_SHARED((NACC, CW), jnp.float32),
            pltpu.VMEM((2, CH), jnp.int32),
            pltpu.VMEM((CH, H), jnp.float32),
            pltpu.VMEM((CH, CW), jnp.float32),
            pltpu.SemaphoreType.DMA,
        ],
    )
    return call(table, esd, gtid, gaid, zrows, zcnt, ones_hbm)



_FIN_BLK = 2048


def _final_body(accg, tabg, cntg, wldp, bldp, wrdp, wlpd, blpd, wrpd,
                wfc1, bfc1, wfc2, bfc2, out):
    f32 = jnp.float32
    hd = tabg[0]
    hp = tabg[1]
    mean_p = accg[0] / jnp.maximum(cntg[0, :, :1], 1.0)
    mean_d = accg[1] / jnp.maximum(cntg[1, :, :1], 1.0)
    d = (jnp.dot(mean_d, wlpd[...], preferred_element_type=f32) + blpd[...]
         + jnp.dot(hd, wrpd[...], preferred_element_type=f32))
    p = (jnp.dot(mean_p, wldp[...], preferred_element_type=f32) + bldp[...]
         + jnp.dot(hp, wrdp[...], preferred_element_type=f32))
    w1 = wfc1[...]
    h = jnp.maximum(
        jnp.dot(d, w1[:H], preferred_element_type=f32)
        + jnp.dot(p, w1[H:], preferred_element_type=f32) + bfc1[...], 0.0)
    out[...] = jnp.dot(h, wfc2[...], preferred_element_type=f32) + bfc2[...]


def _finalize(accg, tabg, cntg, Wl_dp, bl_dp, Wr_dp, Wl_pd, bl_pd, Wr_pd,
              W_fc1, b_fc1, W_fc2, b_fc2):
    full = lambda i: (0, 0)
    return pl.pallas_call(
        _final_body,
        grid=(B // _FIN_BLK,),
        in_specs=[
            pl.BlockSpec((2, _FIN_BLK, H), lambda i: (0, i, 0)),
            pl.BlockSpec((2, _FIN_BLK, H), lambda i: (0, i, 0)),
            pl.BlockSpec((2, _FIN_BLK, CW), lambda i: (0, i, 0)),
            pl.BlockSpec((H, H), full),
            pl.BlockSpec((1, H), full),
            pl.BlockSpec((H, H), full),
            pl.BlockSpec((H, H), full),
            pl.BlockSpec((1, H), full),
            pl.BlockSpec((H, H), full),
            pl.BlockSpec((2 * H, H), full),
            pl.BlockSpec((1, H), full),
            pl.BlockSpec((H, 1), full),
            pl.BlockSpec((1, 1), full),
        ],
        out_specs=pl.BlockSpec((_FIN_BLK, 1), lambda i: (i, 0)),
        out_shape=jax.ShapeDtypeStruct((B, 1), jnp.float32),
    )(accg, tabg, cntg, Wl_dp, bl_dp.reshape(1, H), Wr_dp, Wl_pd,
      bl_pd.reshape(1, H), Wr_pd, W_fc1, b_fc1.reshape(1, H), W_fc2,
      b_fc2.reshape(1, 1))




def kernel(drug_x, protein_x, edge_index_dp, edge_index_pd, drug_idx,
           protein_idx, W_dlin, b_dlin, W_plin, b_plin, Wl_dp, bl_dp, Wr_dp,
           Wl_pd, bl_pd, Wr_pd, W_fc1, b_fc1, W_fc2, b_fc2):
    ei_dp = edge_index_dp.astype(jnp.int32)
    ei_pd = edge_index_pd.astype(jnp.int32)
    didx = drug_idx.astype(jnp.int32)
    pidx = protein_idx.astype(jnp.int32)

    npad = EPAD - E
    pad_src = jnp.zeros((npad,), jnp.int32)
    pad_dst = N + (jnp.arange(npad, dtype=jnp.int32) % (NACC - N))
    src2 = jnp.stack([
        jnp.concatenate([ei_dp[0], pad_src]),
        jnp.concatenate([ei_pd[0] + N, pad_src]),
    ]).reshape(2, ECHP, 1, CH)
    dst2 = jnp.stack([
        jnp.concatenate([ei_dp[1], pad_dst]),
        jnp.concatenate([ei_pd[1], pad_dst]),
    ]).reshape(2, ECHP, 1, CH)
    esd = jnp.concatenate([src2, dst2], axis=2)
    gtid = jnp.stack([didx, pidx + N]).reshape(2, B // CH, CH)
    gaid = jnp.stack([pidx, didx]).reshape(2, B // CH, CH)
    zrows = jnp.zeros((ZBLK, H), jnp.float32)
    zcnt = jnp.zeros((ZBLK, CW), jnp.float32)
    ones_hbm = jnp.ones((CH, CW), jnp.float32)

    table = _project(drug_x, protein_x, W_dlin, b_dlin,
                     W_plin, b_plin).reshape(2 * N, H)
    accg, tabg, cntg = _segment_gather(table, esd, gtid, gaid,
                                       zrows, zcnt, ones_hbm)
    out = _finalize(accg, tabg, cntg, Wl_dp, bl_dp, Wr_dp, Wl_pd, bl_pd,
                    Wr_pd, W_fc1, b_fc1, W_fc2, b_fc2)
    return out.reshape(B)

# --- scband reference (transcript-rebuilt; emitter-appended) ---
"""Pipeline reference for scband-graph-sage-15101105013216 (READ-ONLY COPY).

The authoritative reference and input builder live on the scoring server;
editing this copy changes nothing except your own understanding.
"""

import jax, jax.numpy as jnp
import numpy as np

N_DRUG = 10000
N_PROT = 10000
E = 320000
B = 16384
D_DRUG = 128
D_PROT = 256
H = 128


def setup_inputs(seed: int = 0) -> dict:
    key = jax.random.key(seed)
    ks = jax.random.split(key, 22)
    inp = {}
    inp['drug_x'] = jax.random.normal(ks[0], (N_DRUG, D_DRUG), dtype=jnp.float32)
    inp['protein_x'] = jax.random.normal(ks[1], (N_PROT, D_PROT), dtype=jnp.float32)
    inp['edge_index_dp'] = jax.random.randint(ks[2], (2, E), 0, N_DRUG, dtype=jnp.int64) if jax.config.jax_enable_x64 else jax.random.randint(ks[2], (2, E), 0, N_DRUG).astype(jnp.int32)
    inp['edge_index_pd'] = jax.random.randint(ks[3], (2, E), 0, N_DRUG).astype(inp['edge_index_dp'].dtype)
    inp['drug_idx'] = jax.random.randint(ks[4], (B,), 0, N_DRUG).astype(inp['edge_index_dp'].dtype)
    inp['protein_idx'] = jax.random.randint(ks[5], (B,), 0, N_PROT).astype(inp['edge_index_dp'].dtype)
    s = 0.02
    inp['W_dlin'] = jax.random.normal(ks[6], (D_DRUG, H), dtype=jnp.float32) * s
    inp['b_dlin'] = jnp.zeros((H,), dtype=jnp.float32)
    inp['W_plin'] = jax.random.normal(ks[7], (D_PROT, H), dtype=jnp.float32) * s
    inp['b_plin'] = jnp.zeros((H,), dtype=jnp.float32)
    inp['Wl_dp'] = jax.random.normal(ks[8], (H, H), dtype=jnp.float32) * s
    inp['bl_dp'] = jnp.zeros((H,), dtype=jnp.float32)
    inp['Wr_dp'] = jax.random.normal(ks[9], (H, H), dtype=jnp.float32) * s
    inp['Wl_pd'] = jax.random.normal(ks[10], (H, H), dtype=jnp.float32) * s
    inp['bl_pd'] = jnp.zeros((H,), dtype=jnp.float32)
    inp['Wr_pd'] = jax.random.normal(ks[11], (H, H), dtype=jnp.float32) * s
    inp['W_fc1'] = jax.random.normal(ks[12], (2 * H, H), dtype=jnp.float32) * s
    inp['b_fc1'] = jnp.zeros((H,), dtype=jnp.float32)
    inp['W_fc2'] = jax.random.normal(ks[13], (H, 1), dtype=jnp.float32) * s
    inp['b_fc2'] = jnp.zeros((1,), dtype=jnp.float32)
    return inp


def _sage_conv(x_src, x_dst, edge_index, Wl, bl, Wr, n_dst):
    # PyG SAGEConv (aggr='mean'): out = lin_l(mean_aggr(x_src)) + lin_r(x_dst)
    src = edge_index[0]
    dst = edge_index[1]
    msgs = jnp.take(x_src, src, axis=0)
    summed = jax.ops.segment_sum(msgs, dst, num_segments=n_dst)
    counts = jax.ops.segment_sum(jnp.ones((src.shape[0],), dtype=x_src.dtype), dst, num_segments=n_dst)
    mean = summed / jnp.clip(counts, 1.0, None)[:, None]
    return mean @ Wl + bl + x_dst @ Wr


def reference(drug_x, protein_x, edge_index_dp, edge_index_pd, drug_idx, protein_idx,
              W_dlin, b_dlin, W_plin, b_plin,
              Wl_dp, bl_dp, Wr_dp, Wl_pd, bl_pd, Wr_pd,
              W_fc1, b_fc1, W_fc2, b_fc2):
    h_drug = drug_x @ W_dlin + b_dlin
    h_prot = protein_x @ W_plin + b_plin
    # ('drug','interacts','protein'): messages drug -> protein
    out_prot = _sage_conv(h_drug, h_prot, edge_index_dp, Wl_dp, bl_dp, Wr_dp, N_PROT)
    # ('protein','rev_interacts','drug'): messages protein -> drug
    out_drug = _sage_conv(h_prot, h_drug, edge_index_pd, Wl_pd, bl_pd, Wr_pd, N_DRUG)
    d = jnp.take(out_drug, drug_idx, axis=0)
    p = jnp.take(out_prot, protein_idx, axis=0)
    combined = jnp.concatenate([d, p], axis=1)
    h = jnp.maximum(combined @ W_fc1 + b_fc1, 0.0)
    out = (h @ W_fc2 + b_fc2)[:, 0]
    return out

if __name__ == "__main__":
    import jax
    _d = setup_inputs()
    print(jax.jit(kernel)(*tuple(_d.values())))

</pallas_src>

<mosaic_0001>
#map = affine_map<(d0, d1) -> (0, 0)>
#map1 = affine_map<(d0, d1) -> (0, 0, 0, 0)>
#map2 = affine_map<(d0, d1) -> (0, 0, 0)>
module attributes {stable_mosaic.version = 14 : i64} {
  func.func @_sc_body(%arg0: i32, %arg1: i32, %arg2: memref<20000x128xf32, #tpu.memory_space<hbm>>, %arg3: memref<2x1280x2x256xi32, #tpu.memory_space<hbm>>, %arg4: memref<2x64x256xi32, #tpu.memory_space<hbm>>, %arg5: memref<2x64x256xi32, #tpu.memory_space<hbm>>, %arg6: memref<128x128xf32, #tpu.memory_space<hbm>>, %arg7: memref<128x8xf32, #tpu.memory_space<hbm>>, %arg8: memref<256x8xf32, #tpu.memory_space<hbm>>, %arg9: memref<2x16384x128xf32, #tpu.memory_space<hbm>>, %arg10: memref<2x16384x128xf32, #tpu.memory_space<hbm>>, %arg11: memref<2x16384x8xf32, #tpu.memory_space<hbm>>, %arg12: memref<10240x128xf32, #tpu.memory_space<vmem_shared>>, %arg13: memref<10240x8xf32, #tpu.memory_space<vmem_shared>>, %arg14: memref<2x256xi32, #tpu.memory_space<vmem>>, %arg15: memref<256x128xf32, #tpu.memory_space<vmem>>, %arg16: memref<256x8xf32, #tpu.memory_space<vmem>>, %arg17: memref<!tpu.dma_semaphore, #tpu.memory_space<semaphore_mem>>) attributes {dimension_semantics = [#tpu.dimension_semantics<core_parallel>, #tpu.dimension_semantics<subcore_parallel>], iteration_bounds = array<i64: 2, 16>, scalar_prefetch = 0 : i64, scratch_operands = 6 : i64, tpu.core_type = #tpu.core_type<sc_vector_subcore>, window_params = [{transform_indices = #map}, {transform_indices = #map1}, {transform_indices = #map2}, {transform_indices = #map2}, {transform_indices = #map}, {transform_indices = #map}, {transform_indices = #map}, {transform_indices = #map2}, {transform_indices = #map2}, {transform_indices = #map2}]} {
    %mul3A = arith.constant 80 : i32
    %mul3A_0 = arith.muli %arg1, %mul3A : i32
    "tpu.region"() ({
      %run_scoped3A_279 = tpu.sem_alloc : memref<!tpu.dma_semaphore, #tpu.memory_space<semaphore_mem>>
      %dma_start3A_280 = arith.constant 0 : i32
      %dma_start3A_281 = arith.constant 0 : i32
      %dma_start3A_282 = tpu.memref_slice %arg15[%dma_start3A_280, %dma_start3A_281] : memref<256x128xf32, #tpu.memory_space<vmem>> -> memref<128x128xf32, #tpu.memory_space<vmem>>
      %dma_start3A_283 = arith.constant 0 : i32
      %dma_start3A_284 = arith.constant 0 : i32
      %dma_start3A_285 = tpu.memref_slice %arg15[%dma_start3A_283, %dma_start3A_284] : memref<256x128xf32, #tpu.memory_space<vmem>> -> memref<128x128xf32, #tpu.memory_space<vmem>>
      tpu.enqueue_dma source(%arg6 : memref<128x128xf32, #tpu.memory_space<hbm>>) target(%dma_start3A_285 : memref<128x128xf32, #tpu.memory_space<vmem>>) target_semaphore(%run_scoped3A_279 : memref<!tpu.dma_semaphore, #tpu.memory_space<semaphore_mem>>)
      %dma_wait3A_286 = arith.constant 0 : i32
      %dma_wait3A_287 = arith.constant 0 : i32
      %dma_wait3A_288 = tpu.memref_slice %arg15[%dma_wait3A_286, %dma_wait3A_287] : memref<256x128xf32, #tpu.memory_space<vmem>> -> memref<128x128xf32, #tpu.memory_space<vmem>>
      %dma_wait3A_289 = arith.constant 0 : i32
      %dma_wait3A_290 = arith.constant 0 : i32
      %dma_wait3A_291 = tpu.memref_slice %arg15[%dma_wait3A_289, %dma_wait3A_290] : memref<256x128xf32, #tpu.memory_space<vmem>> -> memref<128x128xf32, #tpu.memory_space<vmem>>
      tpu.wait_dma2 semaphore(%run_scoped3A_279 : memref<!tpu.dma_semaphore, #tpu.memory_space<semaphore_mem>>) src(%arg6 : memref<128x128xf32, #tpu.memory_space<hbm>>) dst(%dma_wait3A_291 : memref<128x128xf32, #tpu.memory_space<vmem>>)
      tpu.yield
    }) : () -> ()
    "tpu.region"() ({
      %run_scoped3A_279 = tpu.sem_alloc : memref<!tpu.dma_semaphore, #tpu.memory_space<semaphore_mem>>
      %dma_start3A_280 = arith.constant 0 : i32
      %dma_start3A_281 = arith.constant 0 : i32
      %dma_start3A_282 = tpu.memref_slice %arg16[%dma_start3A_280, %dma_start3A_281] : memref<256x8xf32, #tpu.memory_space<vmem>> -> memref<128x8xf32, #tpu.memory_space<vmem>>
      %dma_start3A_283 = arith.constant 0 : i32
      %dma_start3A_284 = arith.constant 0 : i32
      %dma_start3A_285 = tpu.memref_slice %arg16[%dma_start3A_283, %dma_start3A_284] : memref<256x8xf32, #tpu.memory_space<vmem>> -> memref<128x8xf32, #tpu.memory_space<vmem>>
      tpu.enqueue_dma source(%arg7 : memref<128x8xf32, #tpu.memory_space<hbm>>) target(%dma_start3A_285 : memref<128x8xf32, #tpu.memory_space<vmem>>) target_semaphore(%run_scoped3A_279 : memref<!tpu.dma_semaphore, #tpu.memory_space<semaphore_mem>>)
      %dma_wait3A_286 = arith.constant 0 : i32
      %dma_wait3A_287 = arith.constant 0 : i32
      %dma_wait3A_288 = tpu.memref_slice %arg16[%dma_wait3A_286, %dma_wait3A_287] : memref<256x8xf32, #tpu.memory_space<vmem>> -> memref<128x8xf32, #tpu.memory_space<vmem>>
      %dma_wait3A_289 = arith.constant 0 : i32
      %dma_wait3A_290 = arith.constant 0 : i32
      %dma_wait3A_291 = tpu.memref_slice %arg16[%dma_wait3A_289, %dma_wait3A_290] : memref<256x8xf32, #tpu.memory_space<vmem>> -> memref<128x8xf32, #tpu.memory_space<vmem>>
      tpu.wait_dma2 semaphore(%run_scoped3A_279 : memref<!tpu.dma_semaphore, #tpu.memory_space<semaphore_mem>>) src(%arg7 : memref<128x8xf32, #tpu.memory_space<hbm>>) dst(%dma_wait3A_291 : memref<128x8xf32, #tpu.memory_space<vmem>>)
      tpu.yield
    }) : () -> ()
    %mul3A_1 = arith.constant 640 : i32
    %mul3A_2 = arith.muli %arg1, %mul3A_1 : i32
    %add3A = arith.constant 0 : i32
    %add3A_3 = arith.addi %mul3A_2, %add3A : i32
    "tpu.region"() ({
      %run_scoped3A_279 = tpu.sem_alloc : memref<!tpu.dma_semaphore, #tpu.memory_space<semaphore_mem>>
      %dma_start3A_280 = arith.constant 0 : i32
      %dma_start3A_281 = arith.constant 0 : i32
      %dma_start3A_282 = tpu.memref_slice %arg15[%dma_start3A_280, %dma_start3A_281] : memref<256x128xf32, #tpu.memory_space<vmem>> -> memref<128x128xf32, #tpu.memory_space<vmem>>
      %dma_start3A_283 = arith.constant 0 : i32
      %dma_start3A_284 = tpu.memref_slice %arg12[%add3A_3, %dma_start3A_283] : memref<10240x128xf32, #tpu.memory_space<vmem_shared>> -> memref<128x128xf32, #tpu.memory_space<vmem_shared>>
      %dma_start3A_285 = arith.constant 0 : i32
      %dma_start3A_286 = tpu.memref_slice %arg12[%add3A_3, %dma_start3A_285] : memref<10240x128xf32, #tpu.memory_space<vmem_shared>> -> memref<128x128xf32, #tpu.memory_space<vmem_shared>>
      %dma_start3A_287 = arith.constant 0 : i32
      %dma_start3A_288 = arith.constant 0 : i32
      %dma_start3A_289 = tpu.memref_slice %arg15[%dma_start3A_287, %dma_start3A_288] : memref<256x128xf32, #tpu.memory_space<vmem>> -> memref<128x128xf32, #tpu.memory_space<vmem>>
      tpu.enqueue_dma source(%dma_start3A_289 : memref<128x128xf32, #tpu.memory_space<vmem>>) target(%dma_start3A_286 : memref<128x128xf32, #tpu.memory_space<vmem_shared>>) target_semaphore(%run_scoped3A_279 : memref<!tpu.dma_semaphore, #tpu.memory_space<semaphore_mem>>)
      %dma_wait3A_290 = arith.constant 0 : i32
      %dma_wait3A_291 = arith.constant 0 : i32
      %dma_wait3A_292 = tpu.memref_slice %arg15[%dma_wait3A_290, %dma_wait3A_291] : memref<256x128xf32, #tpu.memory_space<vmem>> -> memref<128x128xf32, #tpu.memory_space<vmem>>
      %dma_wait3A_293 = arith.constant 0 : i32
      %dma_wait3A_294 = tpu.memref_slice %arg12[%add3A_3, %dma_wait3A_293] : memref<10240x128xf32, #tpu.memory_space<vmem_shared>> -> memref<128x128xf32, #tpu.memory_space<vmem_shared>>
      %dma_wait3A_295 = arith.constant 0 : i32
      %dma_wait3A_296 = tpu.memref_slice %arg12[%add3A_3, %dma_wait3A_295] : memref<10240x128xf32, #tpu.memory_space<vmem_shared>> -> memref<128x128xf32, #tpu.memory_space<vmem_shared>>
      %dma_wait3A_297 = arith.constant 0 : i32
      %dma_wait3A_298 = arith.constant 0 : i32
      %dma_wait3A_299 = tpu.memref_slice %arg15[%dma_wait3A_297, %dma_wait3A_298] : memref<256x128xf32, #tpu.memory_space<vmem>> -> memref<128x128xf32, #tpu.memory_space<vmem>>
      tpu.wait_dma2 semaphore(%run_scoped3A_279 : memref<!tpu.dma_semaphore, #tpu.memory_space<semaphore_mem>>) src(%dma_wait3A_299 : memref<128x128xf32, #tpu.memory_space<vmem>>) dst(%dma_wait3A_296 : memref<128x128xf32, #tpu.memory_space<vmem_shared>>)
      tpu.yield
    }) : () -> ()
    %add3A_4 = arith.constant 0 : i32
    %add3A_5 = arith.addi %mul3A_2, %add3A_4 : i32
    "tpu.region"() ({
      %run_scoped3A_279 = tpu.sem_alloc : memref<!tpu.dma_semaphore, #tpu.memory_space<semaphore_mem>>
      %dma_start3A_280 = arith.constant 0 : i32
      %dma_start3A_281 = arith.constant 0 : i32
      %dma_start3A_282 = tpu.memref_slice %arg16[%dma_start3A_280, %dma_start3A_281] : memref<256x8xf32, #tpu.memory_space<vmem>> -> memref<128x8xf32, #tpu.memory_space<vmem>>
      %dma_start3A_283 = arith.constant 0 : i32
      %dma_start3A_284 = tpu.memref_slice %arg13[%add3A_5, %dma_start3A_283] : memref<10240x8xf32, #tpu.memory_space<vmem_shared>> -> memref<128x8xf32, #tpu.memory_space<vmem_shared>>
      %dma_start3A_285 = arith.constant 0 : i32
      %dma_start3A_286 = tpu.memref_slice %arg13[%add3A_5, %dma_start3A_285] : memref<10240x8xf32, #tpu.memory_space<vmem_shared>> -> memref<128x8xf32, #tpu.memory_space<vmem_shared>>
      %dma_start3A_287 = arith.constant 0 : i32
      %dma_start3A_288 = arith.constant 0 : i32
      %dma_start3A_289 = tpu.memref_slice %arg16[%dma_start3A_287, %dma_start3A_288] : memref<256x8xf32, #tpu.memory_space<vmem>> -> memref<128x8xf32, #tpu.memory_space<vmem>>
      tpu.enqueue_dma source(%dma_start3A_289 : memref<128x8xf32, #tpu.memory_space<vmem>>) target(%dma_start3A_286 : memref<128x8xf32, #tpu.memory_space<vmem_shared>>) target_semaphore(%run_scoped3A_279 : memref<!tpu.dma_semaphore, #tpu.memory_space<semaphore_mem>>)
      %dma_wait3A_290 = arith.constant 0 : i32
      %dma_wait3A_291 = arith.constant 0 : i32
      %dma_wait3A_292 = tpu.memref_slice %arg16[%dma_wait3A_290, %dma_wait3A_291] : memref<256x8xf32, #tpu.memory_space<vmem>> -> memref<128x8xf32, #tpu.memory_space<vmem>>
      %dma_wait3A_293 = arith.constant 0 : i32
      %dma_wait3A_294 = tpu.memref_slice %arg13[%add3A_5, %dma_wait3A_293] : memref<10240x8xf32, #tpu.memory_space<vmem_shared>> -> memref<128x8xf32, #tpu.memory_space<vmem_shared>>
      %dma_wait3A_295 = arith.constant 0 : i32
      %dma_wait3A_296 = tpu.memref_slice %arg13[%add3A_5, %dma_wait3A_295] : memref<10240x8xf32, #tpu.memory_space<vmem_shared>> -> memref<128x8xf32, #tpu.memory_space<vmem_shared>>
      %dma_wait3A_297 = arith.constant 0 : i32
      %dma_wait3A_298 = arith.constant 0 : i32
      %dma_wait3A_299 = tpu.memref_slice %arg16[%dma_wait3A_297, %dma_wait3A_298] : memref<256x8xf32, #tpu.memory_space<vmem>> -> memref<128x8xf32, #tpu.memory_space<vmem>>
      tpu.wait_dma2 semaphore(%run_scoped3A_279 : memref<!tpu.dma_semaphore, #tpu.memory_space<semaphore_mem>>) src(%dma_wait3A_299 : memref<128x8xf32, #tpu.memory_space<vmem>>) dst(%dma_wait3A_296 : memref<128x8xf32, #tpu.memory_space<vmem_shared>>)
      tpu.yield
    }) : () -> ()
    %add3A_6 = arith.constant 128 : i32
    %add3A_7 = arith.addi %mul3A_2, %add3A_6 : i32
    "tpu.region"() ({
      %run_scoped3A_279 = tpu.sem_alloc : memref<!tpu.dma_semaphore, #tpu.memory_space<semaphore_mem>>
      %dma_start3A_280 = arith.constant 0 : i32
      %dma_start3A_281 = arith.constant 0 : i32
      %dma_start3A_282 = tpu.memref_slice %arg15[%dma_start3A_280, %dma_start3A_281] : memref<256x128xf32, #tpu.memory_space<vmem>> -> memref<128x128xf32, #tpu.memory_space<vmem>>
      %dma_start3A_283 = arith.constant 0 : i32
      %dma_start3A_284 = tpu.memref_slice %arg12[%add3A_7, %dma_start3A_283] : memref<10240x128xf32, #tpu.memory_space<vmem_shared>> -> memref<128x128xf32, #tpu.memory_space<vmem_shared>>
      %dma_start3A_285 = arith.constant 0 : i32
      %dma_start3A_286 = tpu.memref_slice %arg12[%add3A_7, %dma_start3A_285] : memref<10240x128xf32, #tpu.memory_space<vmem_shared>> -> memref<128x128xf32, #tpu.memory_space<vmem_shared>>
      %dma_start3A_287 = arith.constant 0 : i32
      %dma_start3A_288 = arith.constant 0 : i32
      %dma_start3A_289 = tpu.memref_slice %arg15[%dma_start3A_287, %dma_start3A_288] : memref<256x128xf32, #tpu.memory_space<vmem>> -> memref<128x128xf32, #tpu.memory_space<vmem>>
      tpu.enqueue_dma source(%dma_start3A_289 : memref<128x128xf32, #tpu.memory_space<vmem>>) target(%dma_start3A_286 : memref<128x128xf32, #tpu.memory_space<vmem_shared>>) target_semaphore(%run_scoped3A_279 : memref<!tpu.dma_semaphore, #tpu.memory_space<semaphore_mem>>)
      %dma_wait3A_290 = arith.constant 0 : i32
      %dma_wait3A_291 = arith.constant 0 : i32
      %dma_wait3A_292 = tpu.memref_slice %arg15[%dma_wait3A_290, %dma_wait3A_291] : memref<256x128xf32, #tpu.memory_space<vmem>> -> memref<128x128xf32, #tpu.memory_space<vmem>>
      %dma_wait3A_293 = arith.constant 0 : i32
      %dma_wait3A_294 = tpu.memref_slice %arg12[%add3A_7, %dma_wait3A_293] : memref<10240x128xf32, #tpu.memory_space<vmem_shared>> -> memref<128x128xf32, #tpu.memory_space<vmem_shared>>
      %dma_wait3A_295 = arith.constant 0 : i32
      %dma_wait3A_296 = tpu.memref_slice %arg12[%add3A_7, %dma_wait3A_295] : memref<10240x128xf32, #tpu.memory_space<vmem_shared>> -> memref<128x128xf32, #tpu.memory_space<vmem_shared>>
      %dma_wait3A_297 = arith.constant 0 : i32
      %dma_wait3A_298 = arith.constant 0 : i32
      %dma_wait3A_299 = tpu.memref_slice %arg15[%dma_wait3A_297, %dma_wait3A_298] : memref<256x128xf32, #tpu.memory_space<vmem>> -> memref<128x128xf32, #tpu.memory_space<vmem>>
      tpu.wait_dma2 semaphore(%run_scoped3A_279 : memref<!tpu.dma_semaphore, #tpu.memory_space<semaphore_mem>>) src(%dma_wait3A_299 : memref<128x128xf32, #tpu.memory_space<vmem>>) dst(%dma_wait3A_296 : memref<128x128xf32, #tpu.memory_space<vmem_shared>>)
      tpu.yield
    }) : () -> ()
    %add3A_8 = arith.constant 128 : i32
    %add3A_9 = arith.addi %mul3A_2, %add3A_8 : i32
    "tpu.region"() ({
      %run_scoped3A_279 = tpu.sem_alloc : memref<!tpu.dma_semaphore, #tpu.memory_space<semaphore_mem>>
      %dma_start3A_280 = arith.constant 0 : i32
      %dma_start3A_281 = arith.constant 0 : i32
      %dma_start3A_282 = tpu.memref_slice %arg16[%dma_start3A_280, %dma_start3A_281] : memref<256x8xf32, #tpu.memory_space<vmem>> -> memref<128x8xf32, #tpu.memory_space<vmem>>
      %dma_start3A_283 = arith.constant 0 : i32
      %dma_start3A_284 = tpu.memref_slice %arg13[%add3A_9, %dma_start3A_283] : memref<10240x8xf32, #tpu.memory_space<vmem_shared>> -> memref<128x8xf32, #tpu.memory_space<vmem_shared>>
      %dma_start3A_285 = arith.constant 0 : i32
      %dma_start3A_286 = tpu.memref_slice %arg13[%add3A_9, %dma_start3A_285] : memref<10240x8xf32, #tpu.memory_space<vmem_shared>> -> memref<128x8xf32, #tpu.memory_space<vmem_shared>>
      %dma_start3A_287 = arith.constant 0 : i32
      %dma_start3A_288 = arith.constant 0 : i32
      %dma_start3A_289 = tpu.memref_slice %arg16[%dma_start3A_287, %dma_start3A_288] : memref<256x8xf32, #tpu.memory_space<vmem>> -> memref<128x8xf32, #tpu.memory_space<vmem>>
      tpu.enqueue_dma source(%dma_start3A_289 : memref<128x8xf32, #tpu.memory_space<vmem>>) target(%dma_start3A_286 : memref<128x8xf32, #tpu.memory_space<vmem_shared>>) target_semaphore(%run_scoped3A_279 : memref<!tpu.dma_semaphore, #tpu.memory_space<semaphore_mem>>)
      %dma_wait3A_290 = arith.constant 0 : i32
      %dma_wait3A_291 = arith.constant 0 : i32
      %dma_wait3A_292 = tpu.memref_slice %arg16[%dma_wait3A_290, %dma_wait3A_291] : memref<256x8xf32, #tpu.memory_space<vmem>> -> memref<128x8xf32, #tpu.memory_space<vmem>>
      %dma_wait3A_293 = arith.constant 0 : i32
      %dma_wait3A_294 = tpu.memref_slice %arg13[%add3A_9, %dma_wait3A_293] : memref<10240x8xf32, #tpu.memory_space<vmem_shared>> -> memref<128x8xf32, #tpu.memory_space<vmem_shared>>
      %dma_wait3A_295 = arith.constant 0 : i32
      %dma_wait3A_296 = tpu.memref_slice %arg13[%add3A_9, %dma_wait3A_295] : memref<10240x8xf32, #tpu.memory_space<vmem_shared>> -> memref<128x8xf32, #tpu.memory_space<vmem_shared>>
      %dma_wait3A_297 = arith.constant 0 : i32
      %dma_wait3A_298 = arith.constant 0 : i32
      %dma_wait3A_299 = tpu.memref_slice %arg16[%dma_wait3A_297, %dma_wait3A_298] : memref<256x8xf32, #tpu.memory_space<vmem>> -> memref<128x8xf32, #tpu.memory_space<vmem>>
      tpu.wait_dma2 semaphore(%run_scoped3A_279 : memref<!tpu.dma_semaphore, #tpu.memory_space<semaphore_mem>>) src(%dma_wait3A_299 : memref<128x8xf32, #tpu.memory_space<vmem>>) dst(%dma_wait3A_296 : memref<128x8xf32, #tpu.memory_space<vmem_shared>>)
      tpu.yield
    }) : () -> ()
    %add3A_10 = arith.constant 256 : i32
    %add3A_11 = arith.addi %mul3A_2, %add3A_10 : i32
    "tpu.region"() ({
      %run_scoped3A_279 = tpu.sem_alloc : memref<!tpu.dma_semaphore, #tpu.memory_space<semaphore_mem>>
      %dma_start3A_280 = arith.constant 0 : i32
      %dma_start3A_281 = arith.constant 0 : i32
      %dma_start3A_282 = tpu.memref_slice %arg15[%dma_start3A_280, %dma_start3A_281] : memref<256x128xf32, #tpu.memory_space<vmem>> -> memref<128x128xf32, #tpu.memory_space<vmem>>
      %dma_start3A_283 = arith.constant 0 : i32
      %dma_start3A_284 = tpu.memref_slice %arg12[%add3A_11, %dma_start3A_283] : memref<10240x128xf32, #tpu.memory_space<vmem_shared>> -> memref<128x128xf32, #tpu.memory_space<vmem_shared>>
      %dma_start3A_285 = arith.constant 0 : i32
      %dma_start3A_286 = tpu.memref_slice %arg12[%add3A_11, %dma_start3A_285] : memref<10240x128xf32, #tpu.memory_space<vmem_shared>> -> memref<128x128xf32, #tpu.memory_space<vmem_shared>>
      %dma_start3A_287 = arith.constant 0 : i32
      %dma_start3A_288 = arith.constant 0 : i32
      %dma_start3A_289 = tpu.memref_slice %arg15[%dma_start3A_287, %dma_start3A_288] : memref<256x128xf32, #tpu.memory_space<vmem>> -> memref<128x128xf32, #tpu.memory_space<vmem>>
      tpu.enqueue_dma source(%dma_start3A_289 : memref<128x128xf32, #tpu.memory_space<vmem>>) target(%dma_start3A_286 : memref<128x128xf32, #tpu.memory_space<vmem_shared>>) target_semaphore(%run_scoped3A_279 : memref<!tpu.dma_semaphore, #tpu.memory_space<semaphore_mem>>)
      %dma_wait3A_290 = arith.constant 0 : i32
      %dma_wait3A_291 = arith.constant 0 : i32
      %dma_wait3A_292 = tpu.memref_slice %arg15[%dma_wait3A_290, %dma_wait3A_291] : memref<256x128xf32, #tpu.memory_space<vmem>> -> memref<128x128xf32, #tpu.memory_space<vmem>>
      %dma_wait3A_293 = arith.constant 0 : i32
      %dma_wait3A_294 = tpu.memref_slice %arg12[%add3A_11, %dma_wait3A_293] : memref<10240x128xf32, #tpu.memory_space<vmem_shared>> -> memref<128x128xf32, #tpu.memory_space<vmem_shared>>
      %dma_wait3A_295 = arith.constant 0 : i32
      %dma_wait3A_296 = tpu.memref_slice %arg12[%add3A_11, %dma_wait3A_295] : memref<10240x128xf32, #tpu.memory_space<vmem_shared>> -> memref<128x128xf32, #tpu.memory_space<vmem_shared>>
      %dma_wait3A_297 = arith.constant 0 : i32
      %dma_wait3A_298 = arith.constant 0 : i32
      %dma_wait3A_299 = tpu.memref_slice %arg15[%dma_wait3A_297, %dma_wait3A_298] : memref<256x128xf32, #tpu.memory_space<vmem>> -> memref<128x128xf32, #tpu.memory_space<vmem>>
      tpu.wait_dma2 semaphore(%run_scoped3A_279 : memref<!tpu.dma_semaphore, #tpu.memory_space<semaphore_mem>>) src(%dma_wait3A_299 : memref<128x128xf32, #tpu.memory_space<vmem>>) dst(%dma_wait3A_296 : memref<128x128xf32, #tpu.memory_space<vmem_shared>>)
      tpu.yield
    }) : () -> ()
    %add3A_12 = arith.constant 256 : i32
    %add3A_13 = arith.addi %mul3A_2, %add3A_12 : i32
    "tpu.region"() ({
      %run_scoped3A_279 = tpu.sem_alloc : memref<!tpu.dma_semaphore, #tpu.memory_space<semaphore_mem>>
      %dma_start3A_280 = arith.constant 0 : i32
      %dma_start3A_281 = arith.constant 0 : i32
      %dma_start3A_282 = tpu.memref_slice %arg16[%dma_start3A_280, %dma_start3A_281] : memref<256x8xf32, #tpu.memory_space<vmem>> -> memref<128x8xf32, #tpu.memory_space<vmem>>
      %dma_start3A_283 = arith.constant 0 : i32
      %dma_start3A_284 = tpu.memref_slice %arg13[%add3A_13, %dma_start3A_283] : memref<10240x8xf32, #tpu.memory_space<vmem_shared>> -> memref<128x8xf32, #tpu.memory_space<vmem_shared>>
      %dma_start3A_285 = arith.constant 0 : i32
      %dma_start3A_286 = tpu.memref_slice %arg13[%add3A_13, %dma_start3A_285] : memref<10240x8xf32, #tpu.memory_space<vmem_shared>> -> memref<128x8xf32, #tpu.memory_space<vmem_shared>>
      %dma_start3A_287 = arith.constant 0 : i32
      %dma_start3A_288 = arith.constant 0 : i32
      %dma_start3A_289 = tpu.memref_slice %arg16[%dma_start3A_287, %dma_start3A_288] : memref<256x8xf32, #tpu.memory_space<vmem>> -> memref<128x8xf32, #tpu.memory_space<vmem>>
      tpu.enqueue_dma source(%dma_start3A_289 : memref<128x8xf32, #tpu.memory_space<vmem>>) target(%dma_start3A_286 : memref<128x8xf32, #tpu.memory_space<vmem_shared>>) target_semaphore(%run_scoped3A_279 : memref<!tpu.dma_semaphore, #tpu.memory_space<semaphore_mem>>)
      %dma_wait3A_290 = arith.constant 0 : i32
      %dma_wait3A_291 = arith.constant 0 : i32
      %dma_wait3A_292 = tpu.memref_slice %arg16[%dma_wait3A_290, %dma_wait3A_291] : memref<256x8xf32, #tpu.memory_space<vmem>> -> memref<128x8xf32, #tpu.memory_space<vmem>>
      %dma_wait3A_293 = arith.constant 0 : i32
      %dma_wait3A_294 = tpu.memref_slice %arg13[%add3A_13, %dma_wait3A_293] : memref<10240x8xf32, #tpu.memory_space<vmem_shared>> -> memref<128x8xf32, #tpu.memory_space<vmem_shared>>
      %dma_wait3A_295 = arith.constant 0 : i32
      %dma_wait3A_296 = tpu.memref_slice %arg13[%add3A_13, %dma_wait3A_295] : memref<10240x8xf32, #tpu.memory_space<vmem_shared>> -> memref<128x8xf32, #tpu.memory_space<vmem_shared>>
      %dma_wait3A_297 = arith.constant 0 : i32
      %dma_wait3A_298 = arith.constant 0 : i32
      %dma_wait3A_299 = tpu.memref_slice %arg16[%dma_wait3A_297, %dma_wait3A_298] : memref<256x8xf32, #tpu.memory_space<vmem>> -> memref<128x8xf32, #tpu.memory_space<vmem>>
      tpu.wait_dma2 semaphore(%run_scoped3A_279 : memref<!tpu.dma_semaphore, #tpu.memory_space<semaphore_mem>>) src(%dma_wait3A_299 : memref<128x8xf32, #tpu.memory_space<vmem>>) dst(%dma_wait3A_296 : memref<128x8xf32, #tpu.memory_space<vmem_shared>>)
      tpu.yield
    }) : () -> ()
    %add3A_14 = arith.constant 384 : i32
    %add3A_15 = arith.addi %mul3A_2, %add3A_14 : i32
    "tpu.region"() ({
      %run_scoped3A_279 = tpu.sem_alloc : memref<!tpu.dma_semaphore, #tpu.memory_space<semaphore_mem>>
      %dma_start3A_280 = arith.constant 0 : i32
      %dma_start3A_281 = arith.constant 0 : i32
      %dma_start3A_282 = tpu.memref_slice %arg15[%dma_start3A_280, %dma_start3A_281] : memref<256x128xf32, #tpu.memory_space<vmem>> -> memref<128x128xf32, #tpu.memory_space<vmem>>
      %dma_start3A_283 = arith.constant 0 : i32
      %dma_start3A_284 = tpu.memref_slice %arg12[%add3A_15, %dma_start3A_283] : memref<10240x128xf32, #tpu.memory_space<vmem_shared>> -> memref<128x128xf32, #tpu.memory_space<vmem_shared>>
      %dma_start3A_285 = arith.constant 0 : i32
      %dma_start3A_286 = tpu.memref_slice %arg12[%add3A_15, %dma_start3A_285] : memref<10240x128xf32, #tpu.memory_space<vmem_shared>> -> memref<128x128xf32, #tpu.memory_space<vmem_shared>>
      %dma_start3A_287 = arith.constant 0 : i32
      %dma_start3A_288 = arith.constant 0 : i32
      %dma_start3A_289 = tpu.memref_slice %arg15[%dma_start3A_287, %dma_start3A_288] : memref<256x128xf32, #tpu.memory_space<vmem>> -> memref<128x128xf32, #tpu.memory_space<vmem>>
      tpu.enqueue_dma source(%dma_start3A_289 : memref<128x128xf32, #tpu.memory_space<vmem>>) target(%dma_start3A_286 : memref<128x128xf32, #tpu.memory_space<vmem_shared>>) target_semaphore(%run_scoped3A_279 : memref<!tpu.dma_semaphore, #tpu.memory_space<semaphore_mem>>)
      %dma_wait3A_290 = arith.constant 0 : i32
      %dma_wait3A_291 = arith.constant 0 : i32
      %dma_wait3A_292 = tpu.memref_slice %arg15[%dma_wait3A_290, %dma_wait3A_291] : memref<256x128xf32, #tpu.memory_space<vmem>> -> memref<128x128xf32, #tpu.memory_space<vmem>>
      %dma_wait3A_293 = arith.constant 0 : i32
      %dma_wait3A_294 = tpu.memref_slice %arg12[%add3A_15, %dma_wait3A_293] : memref<10240x128xf32, #tpu.memory_space<vmem_shared>> -> memref<128x128xf32, #tpu.memory_space<vmem_shared>>
      %dma_wait3A_295 = arith.constant 0 : i32
      %dma_wait3A_296 = tpu.memref_slice %arg12[%add3A_15, %dma_wait3A_295] : memref<10240x128xf32, #tpu.memory_space<vmem_shared>> -> memref<128x128xf32, #tpu.memory_space<vmem_shared>>
      %dma_wait3A_297 = arith.constant 0 : i32
      %dma_wait3A_298 = arith.constant 0 : i32
      %dma_wait3A_299 = tpu.memref_slice %arg15[%dma_wait3A_297, %dma_wait3A_298] : memref<256x128xf32, #tpu.memory_space<vmem>> -> memref<128x128xf32, #tpu.memory_space<vmem>>
      tpu.wait_dma2 semaphore(%run_scoped3A_279 : memref<!tpu.dma_semaphore, #tpu.memory_space<semaphore_mem>>) src(%dma_wait3A_299 : memref<128x128xf32, #tpu.memory_space<vmem>>) dst(%dma_wait3A_296 : memref<128x128xf32, #tpu.memory_space<vmem_shared>>)
      tpu.yield
    }) : () -> ()
    %add3A_16 = arith.constant 384 : i32
    %add3A_17 = arith.addi %mul3A_2, %add3A_16 : i32
    "tpu.region"() ({
      %run_scoped3A_279 = tpu.sem_alloc : memref<!tpu.dma_semaphore, #tpu.memory_space<semaphore_mem>>
      %dma_start3A_280 = arith.constant 0 : i32
      %dma_start3A_281 = arith.constant 0 : i32
      %dma_start3A_282 = tpu.memref_slice %arg16[%dma_start3A_280, %dma_start3A_281] : memref<256x8xf32, #tpu.memory_space<vmem>> -> memref<128x8xf32, #tpu.memory_space<vmem>>
      %dma_start3A_283 = arith.constant 0 : i32
      %dma_start3A_284 = tpu.memref_slice %arg13[%add3A_17, %dma_start3A_283] : memref<10240x8xf32, #tpu.memory_space<vmem_shared>> -> memref<128x8xf32, #tpu.memory_space<vmem_shared>>
      %dma_start3A_285 = arith.constant 0 : i32
      %dma_start3A_286 = tpu.memref_slice %arg13[%add3A_17, %dma_start3A_285] : memref<10240x8xf32, #tpu.memory_space<vmem_shared>> -> memref<128x8xf32, #tpu.memory_space<vmem_shared>>
      %dma_start3A_287 = arith.constant 0 : i32
      %dma_start3A_288 = arith.constant 0 : i32
      %dma_start3A_289 = tpu.memref_slice %arg16[%dma_start3A_287, %dma_start3A_288] : memref<256x8xf32, #tpu.memory_space<vmem>> -> memref<128x8xf32, #tpu.memory_space<vmem>>
      tpu.enqueue_dma source(%dma_start3A_289 : memref<128x8xf32, #tpu.memory_space<vmem>>) target(%dma_start3A_286 : memref<128x8xf32, #tpu.memory_space<vmem_shared>>) target_semaphore(%run_scoped3A_279 : memref<!tpu.dma_semaphore, #tpu.memory_space<semaphore_mem>>)
      %dma_wait3A_290 = arith.constant 0 : i32
      %dma_wait3A_291 = arith.constant 0 : i32
      %dma_wait3A_292 = tpu.memref_slice %arg16[%dma_wait3A_290, %dma_wait3A_291] : memref<256x8xf32, #tpu.memory_space<vmem>> -> memref<128x8xf32, #tpu.memory_space<vmem>>
      %dma_wait3A_293 = arith.constant 0 : i32
      %dma_wait3A_294 = tpu.memref_slice %arg13[%add3A_17, %dma_wait3A_293] : memref<10240x8xf32, #tpu.memory_space<vmem_shared>> -> memref<128x8xf32, #tpu.memory_space<vmem_shared>>
      %dma_wait3A_295 = arith.constant 0 : i32
      %dma_wait3A_296 = tpu.memref_slice %arg13[%add3A_17, %dma_wait3A_295] : memref<10240x8xf32, #tpu.memory_space<vmem_shared>> -> memref<128x8xf32, #tpu.memory_space<vmem_shared>>
      %dma_wait3A_297 = arith.constant 0 : i32
      %dma_wait3A_298 = arith.constant 0 : i32
      %dma_wait3A_299 = tpu.memref_slice %arg16[%dma_wait3A_297, %dma_wait3A_298] : memref<256x8xf32, #tpu.memory_space<vmem>> -> memref<128x8xf32, #tpu.memory_space<vmem>>
      tpu.wait_dma2 semaphore(%run_scoped3A_279 : memref<!tpu.dma_semaphore, #tpu.memory_space<semaphore_mem>>) src(%dma_wait3A_299 : memref<128x8xf32, #tpu.memory_space<vmem>>) dst(%dma_wait3A_296 : memref<128x8xf32, #tpu.memory_space<vmem_shared>>)
      tpu.yield
    }) : () -> ()
    %add3A_18 = arith.constant 512 : i32
    %add3A_19 = arith.addi %mul3A_2, %add3A_18 : i32
    "tpu.region"() ({
      %run_scoped3A_279 = tpu.sem_alloc : memref<!tpu.dma_semaphore, #tpu.memory_space<semaphore_mem>>
      %dma_start3A_280 = arith.constant 0 : i32
      %dma_start3A_281 = arith.constant 0 : i32
      %dma_start3A_282 = tpu.memref_slice %arg15[%dma_start3A_280, %dma_start3A_281] : memref<256x128xf32, #tpu.memory_space<vmem>> -> memref<128x128xf32, #tpu.memory_space<vmem>>
      %dma_start3A_283 = arith.constant 0 : i32
      %dma_start3A_284 = tpu.memref_slice %arg12[%add3A_19, %dma_start3A_283] : memref<10240x128xf32, #tpu.memory_space<vmem_shared>> -> memref<128x128xf32, #tpu.memory_space<vmem_shared>>
      %dma_start3A_285 = arith.constant 0 : i32
      %dma_start3A_286 = tpu.memref_slice %arg12[%add3A_19, %dma_start3A_285] : memref<10240x128xf32, #tpu.memory_space<vmem_shared>> -> memref<128x128xf32, #tpu.memory_space<vmem_shared>>
      %dma_start3A_287 = arith.constant 0 : i32
      %dma_start3A_288 = arith.constant 0 : i32
      %dma_start3A_289 = tpu.memref_slice %arg15[%dma_start3A_287, %dma_start3A_288] : memref<256x128xf32, #tpu.memory_space<vmem>> -> memref<128x128xf32, #tpu.memory_space<vmem>>
      tpu.enqueue_dma source(%dma_start3A_289 : memref<128x128xf32, #tpu.memory_space<vmem>>) target(%dma_start3A_286 : memref<128x128xf32, #tpu.memory_space<vmem_shared>>) target_semaphore(%run_scoped3A_279 : memref<!tpu.dma_semaphore, #tpu.memory_space<semaphore_mem>>)
      %dma_wait3A_290 = arith.constant 0 : i32
      %dma_wait3A_291 = arith.constant 0 : i32
      %dma_wait3A_292 = tpu.memref_slice %arg15[%dma_wait3A_290, %dma_wait3A_291] : memref<256x128xf32, #tpu.memory_space<vmem>> -> memref<128x128xf32, #tpu.memory_space<vmem>>
      %dma_wait3A_293 = arith.constant 0 : i32
      %dma_wait3A_294 = tpu.memref_slice %arg12[%add3A_19, %dma_wait3A_293] : memref<10240x128xf32, #tpu.memory_space<vmem_shared>> -> memref<128x128xf32, #tpu.memory_space<vmem_shared>>
      %dma_wait3A_295 = arith.constant 0 : i32
      %dma_wait3A_296 = tpu.memref_slice %arg12[%add3A_19, %dma_wait3A_295] : memref<10240x128xf32, #tpu.memory_space<vmem_shared>> -> memref<128x128xf32, #tpu.memory_space<vmem_shared>>
      %dma_wait3A_297 = arith.constant 0 : i32
      %dma_wait3A_298 = arith.constant 0 : i32
      %dma_wait3A_299 = tpu.memref_slice %arg15[%dma_wait3A_297, %dma_wait3A_298] : memref<256x128xf32, #tpu.memory_space<vmem>> -> memref<128x128xf32, #tpu.memory_space<vmem>>
      tpu.wait_dma2 semaphore(%run_scoped3A_279 : memref<!tpu.dma_semaphore, #tpu.memory_space<semaphore_mem>>) src(%dma_wait3A_299 : memref<128x128xf32, #tpu.memory_space<vmem>>) dst(%dma_wait3A_296 : memref<128x128xf32, #tpu.memory_space<vmem_shared>>)
      tpu.yield
    }) : () -> ()
    %add3A_20 = arith.constant 512 : i32
    %add3A_21 = arith.addi %mul3A_2, %add3A_20 : i32
    "tpu.region"() ({
      %run_scoped3A_279 = tpu.sem_alloc : memref<!tpu.dma_semaphore, #tpu.memory_space<semaphore_mem>>
      %dma_start3A_280 = arith.constant 0 : i32
      %dma_start3A_281 = arith.constant 0 : i32
      %dma_start3A_282 = tpu.memref_slice %arg16[%dma_start3A_280, %dma_start3A_281] : memref<256x8xf32, #tpu.memory_space<vmem>> -> memref<128x8xf32, #tpu.memory_space<vmem>>
      %dma_start3A_283 = arith.constant 0 : i32
      %dma_start3A_284 = tpu.memref_slice %arg13[%add3A_21, %dma_start3A_283] : memref<10240x8xf32, #tpu.memory_space<vmem_shared>> -> memref<128x8xf32, #tpu.memory_space<vmem_shared>>
      %dma_start3A_285 = arith.constant 0 : i32
      %dma_start3A_286 = tpu.memref_slice %arg13[%add3A_21, %dma_start3A_285] : memref<10240x8xf32, #tpu.memory_space<vmem_shared>> -> memref<128x8xf32, #tpu.memory_space<vmem_shared>>
      %dma_start3A_287 = arith.constant 0 : i32
      %dma_start3A_288 = arith.constant 0 : i32
      %dma_start3A_289 = tpu.memref_slice %arg16[%dma_start3A_287, %dma_start3A_288] : memref<256x8xf32, #tpu.memory_space<vmem>> -> memref<128x8xf32, #tpu.memory_space<vmem>>
      tpu.enqueue_dma source(%dma_start3A_289 : memref<128x8xf32, #tpu.memory_space<vmem>>) target(%dma_start3A_286 : memref<128x8xf32, #tpu.memory_space<vmem_shared>>) target_semaphore(%run_scoped3A_279 : memref<!tpu.dma_semaphore, #tpu.memory_space<semaphore_mem>>)
      %dma_wait3A_290 = arith.constant 0 : i32
      %dma_wait3A_291 = arith.constant 0 : i32
      %dma_wait3A_292 = tpu.memref_slice %arg16[%dma_wait3A_290, %dma_wait3A_291] : memref<256x8xf32, #tpu.memory_space<vmem>> -> memref<128x8xf32, #tpu.memory_space<vmem>>
      %dma_wait3A_293 = arith.constant 0 : i32
      %dma_wait3A_294 = tpu.memref_slice %arg13[%add3A_21, %dma_wait3A_293] : memref<10240x8xf32, #tpu.memory_space<vmem_shared>> -> memref<128x8xf32, #tpu.memory_space<vmem_shared>>
      %dma_wait3A_295 = arith.constant 0 : i32
      %dma_wait3A_296 = tpu.memref_slice %arg13[%add3A_21, %dma_wait3A_295] : memref<10240x8xf32, #tpu.memory_space<vmem_shared>> -> memref<128x8xf32, #tpu.memory_space<vmem_shared>>
      %dma_wait3A_297 = arith.constant 0 : i32
      %dma_wait3A_298 = arith.constant 0 : i32
      %dma_wait3A_299 = tpu.memref_slice %arg16[%dma_wait3A_297, %dma_wait3A_298] : memref<256x8xf32, #tpu.memory_space<vmem>> -> memref<128x8xf32, #tpu.memory_space<vmem>>
      tpu.wait_dma2 semaphore(%run_scoped3A_279 : memref<!tpu.dma_semaphore, #tpu.memory_space<semaphore_mem>>) src(%dma_wait3A_299 : memref<128x8xf32, #tpu.memory_space<vmem>>) dst(%dma_wait3A_296 : memref<128x8xf32, #tpu.memory_space<vmem_shared>>)
      tpu.yield
    }) : () -> ()
    "tpu.region"() ({
      %run_scoped3A_279 = tpu.sem_alloc : memref<!tpu.dma_semaphore, #tpu.memory_space<semaphore_mem>>
      tpu.enqueue_dma source(%arg8 : memref<256x8xf32, #tpu.memory_space<hbm>>) target(%arg16 : memref<256x8xf32, #tpu.memory_space<vmem>>) target_semaphore(%run_scoped3A_279 : memref<!tpu.dma_semaphore, #tpu.memory_space<semaphore_mem>>)
      tpu.wait_dma2 semaphore(%run_scoped3A_279 : memref<!tpu.dma_semaphore, #tpu.memory_space<semaphore_mem>>) src(%arg8 : memref<256x8xf32, #tpu.memory_space<hbm>>) dst(%arg16 : memref<256x8xf32, #tpu.memory_space<vmem>>)
      tpu.yield
    }) : () -> ()
    %barrier3A = arith.constant 0 : index
    tpu.barrier barrier_id(%barrier3A)
    %scan3A = arith.constant 0 : i32
    %scan3A_22 = arith.constant 0 : i32
    %scan3A_23 = arith.constant 80 : i32
    %scan3A_24 = arith.addi %scan3A_22, %scan3A_23 : i32
    %scan3A_25 = arith.constant 1 : i32
    scf.for %scan3A_279 = %scan3A_22 to %scan3A_24 step %scan3A_25  : i32 {
      %add3A_280 = arith.addi %mul3A_0, %scan3A_279 : i32
      "tpu.region"() ({
        %run_scoped3A_297 = tpu.sem_alloc : memref<!tpu.dma_semaphore, #tpu.memory_space<semaphore_mem>>
        %dma_start3A_298 = arith.constant 0 : i32
        %dma_start3A_299 = arith.constant 0 : i32
        %dma_start3A_300 = tpu.memref_slice %arg3[%arg0, %add3A_280, %dma_start3A_298, %dma_start3A_299] : memref<2x1280x2x256xi32, #tpu.memory_space<hbm>> -> memref<1x1x2x256xi32, #tpu.memory_space<hbm>>
        %dma_start3A_301 = tpu.memref_squeeze %dma_start3A_300 : memref<1x1x2x256xi32, #tpu.memory_space<hbm>> -> memref<2x256xi32, #tpu.memory_space<hbm>>
        %dma_start3A_302 = arith.constant 0 : i32
        %dma_start3A_303 = arith.constant 0 : i32
        %dma_start3A_304 = tpu.memref_slice %arg3[%arg0, %add3A_280, %dma_start3A_302, %dma_start3A_303] : memref<2x1280x2x256xi32, #tpu.memory_space<hbm>> -> memref<1x1x2x256xi32, #tpu.memory_space<hbm>>
        %dma_start3A_305 = tpu.memref_squeeze %dma_start3A_304 : memref<1x1x2x256xi32, #tpu.memory_space<hbm>> -> memref<2x256xi32, #tpu.memory_space<hbm>>
        tpu.enqueue_dma source(%dma_start3A_305 : memref<2x256xi32, #tpu.memory_space<hbm>>) target(%arg14 : memref<2x256xi32, #tpu.memory_space<vmem>>) target_semaphore(%run_scoped3A_297 : memref<!tpu.dma_semaphore, #tpu.memory_space<semaphore_mem>>)
        %dma_wait3A_306 = arith.constant 0 : i32
        %dma_wait3A_307 = arith.constant 0 : i32
        %dma_wait3A_308 = tpu.memref_slice %arg3[%arg0, %add3A_280, %dma_wait3A_306, %dma_wait3A_307] : memref<2x1280x2x256xi32, #tpu.memory_space<hbm>> -> memref<1x1x2x256xi32, #tpu.memory_space<hbm>>
        %dma_wait3A_309 = tpu.memref_squeeze %dma_wait3A_308 : memref<1x1x2x256xi32, #tpu.memory_space<hbm>> -> memref<2x256xi32, #tpu.memory_space<hbm>>
        %dma_wait3A_310 = arith.constant 0 : i32
        %dma_wait3A_311 = arith.constant 0 : i32
        %dma_wait3A_312 = tpu.memref_slice %arg3[%arg0, %add3A_280, %dma_wait3A_310, %dma_wait3A_311] : memref<2x1280x2x256xi32, #tpu.memory_space<hbm>> -> memref<1x1x2x256xi32, #tpu.memory_space<hbm>>
        %dma_wait3A_313 = tpu.memref_squeeze %dma_wait3A_312 : memref<1x1x2x256xi32, #tpu.memory_space<hbm>> -> memref<2x256xi32, #tpu.memory_space<hbm>>
        tpu.wait_dma2 semaphore(%run_scoped3A_297 : memref<!tpu.dma_semaphore, #tpu.memory_space<semaphore_mem>>) src(%dma_wait3A_313 : memref<2x256xi32, #tpu.memory_space<hbm>>) dst(%arg14 : memref<2x256xi32, #tpu.memory_space<vmem>>)
        tpu.yield
      }) : () -> ()
      %dma_start3A_281 = arith.constant 0 : i32
      %dma_start3A_282 = arith.constant 0 : i32
      %dma_start3A_283 = tpu.memref_slice %arg14[%dma_start3A_281, %dma_start3A_282] : memref<2x256xi32, #tpu.memory_space<vmem>> -> memref<1x256xi32, #tpu.memory_space<vmem>>
      %dma_start3A_284 = tpu.memref_squeeze %dma_start3A_283 : memref<1x256xi32, #tpu.memory_space<vmem>> -> memref<256xi32, #tpu.memory_space<vmem>>
      %dma_start3A_285 = arith.constant 0 : i32
      %dma_start3A_286 = arith.constant 0 : i32
      %dma_start3A_287 = tpu.memref_slice %arg2[%dma_start3A_285, %dma_start3A_286] : memref<20000x128xf32, #tpu.memory_space<hbm>> -> memref<20000x128xf32, #tpu.memory_space<hbm>>
      tpu.enqueue_indirect_dma source(%dma_start3A_287 : memref<20000x128xf32, #tpu.memory_space<hbm>>) target(%arg15 : memref<256x128xf32, #tpu.memory_space<vmem>>) offsets(%dma_start3A_284 : memref<256xi32, #tpu.memory_space<vmem>>) semaphore(%arg17 : memref<!tpu.dma_semaphore, #tpu.memory_space<semaphore_mem>>)
      %dma_wait3A_288 = arith.constant 0 : i32
      %dma_wait3A_289 = arith.constant 0 : i32
      %dma_wait3A_290 = tpu.memref_slice %arg14[%dma_wait3A_288, %dma_wait3A_289] : memref<2x256xi32, #tpu.memory_space<vmem>> -> memref<1x256xi32, #tpu.memory_space<vmem>>
      %dma_wait3A_291 = tpu.memref_squeeze %dma_wait3A_290 : memref<1x256xi32, #tpu.memory_space<vmem>> -> memref<256xi32, #tpu.memory_space<vmem>>
      %dma_wait3A_292 = arith.constant 0 : i32
      %dma_wait3A_293 = arith.constant 0 : i32
      %dma_wait3A_294 = tpu.memref_slice %arg2[%dma_wait3A_292, %dma_wait3A_293] : memref<20000x128xf32, #tpu.memory_space<hbm>> -> memref<20000x128xf32, #tpu.memory_space<hbm>>
      tpu.wait_indirect_dma semaphore(%arg17 : memref<!tpu.dma_semaphore, #tpu.memory_space<semaphore_mem>>) src(%dma_wait3A_294 : memref<20000x128xf32, #tpu.memory_space<hbm>>) dst(%arg15 : memref<256x128xf32, #tpu.memory_space<vmem>>)
      %run_scoped3A_295 = arith.constant 1 : i32
      "tpu.region"() ({
        %run_scoped3A_297 = tpu.sem_alloc : memref<!tpu.dma_semaphore, #tpu.memory_space<semaphore_mem>>
        %dma_start3A_298 = arith.constant 0 : i32
        %dma_start3A_299 = tpu.memref_slice %arg14[%run_scoped3A_295, %dma_start3A_298] : memref<2x256xi32, #tpu.memory_space<vmem>> -> memref<1x256xi32, #tpu.memory_space<vmem>>
        %dma_start3A_300 = tpu.memref_squeeze %dma_start3A_299 : memref<1x256xi32, #tpu.memory_space<vmem>> -> memref<256xi32, #tpu.memory_space<vmem>>
        %dma_start3A_301 = arith.constant 0 : i32
        %dma_start3A_302 = arith.constant 0 : i32
        %dma_start3A_303 = tpu.memref_slice %arg12[%dma_start3A_301, %dma_start3A_302] : memref<10240x128xf32, #tpu.memory_space<vmem_shared>> -> memref<10240x128xf32, #tpu.memory_space<vmem_shared>>
        tpu.enqueue_indirect_dma source(%arg15 : memref<256x128xf32, #tpu.memory_space<vmem>>) target(%dma_start3A_303 : memref<10240x128xf32, #tpu.memory_space<vmem_shared>>) offsets(%dma_start3A_300 : memref<256xi32, #tpu.memory_space<vmem>>) semaphore(%run_scoped3A_297 : memref<!tpu.dma_semaphore, #tpu.memory_space<semaphore_mem>>) {add = true}
        %dma_wait3A_304 = arith.constant 0 : i32
        %dma_wait3A_305 = tpu.memref_slice %arg14[%run_scoped3A_295, %dma_wait3A_304] : memref<2x256xi32, #tpu.memory_space<vmem>> -> memref<1x256xi32, #tpu.memory_space<vmem>>
        %dma_wait3A_306 = tpu.memref_squeeze %dma_wait3A_305 : memref<1x256xi32, #tpu.memory_space<vmem>> -> memref<256xi32, #tpu.memory_space<vmem>>
        %dma_wait3A_307 = arith.constant 0 : i32
        %dma_wait3A_308 = arith.constant 0 : i32
        %dma_wait3A_309 = tpu.memref_slice %arg12[%dma_wait3A_307, %dma_wait3A_308] : memref<10240x128xf32, #tpu.memory_space<vmem_shared>> -> memref<10240x128xf32, #tpu.memory_space<vmem_shared>>
        tpu.wait_indirect_dma semaphore(%run_scoped3A_297 : memref<!tpu.dma_semaphore, #tpu.memory_space<semaphore_mem>>) src(%arg15 : memref<256x128xf32, #tpu.memory_space<vmem>>) dst(%dma_wait3A_309 : memref<10240x128xf32, #tpu.memory_space<vmem_shared>>)
        tpu.yield
      }) : () -> ()
      %run_scoped3A_296 = arith.constant 1 : i32
      "tpu.region"() ({
        %run_scoped3A_297 = tpu.sem_alloc : memref<!tpu.dma_semaphore, #tpu.memory_space<semaphore_mem>>
        %dma_start3A_298 = arith.constant 0 : i32
        %dma_start3A_299 = tpu.memref_slice %arg14[%run_scoped3A_296, %dma_start3A_298] : memref<2x256xi32, #tpu.memory_space<vmem>> -> memref<1x256xi32, #tpu.memory_space<vmem>>
        %dma_start3A_300 = tpu.memref_squeeze %dma_start3A_299 : memref<1x256xi32, #tpu.memory_space<vmem>> -> memref<256xi32, #tpu.memory_space<vmem>>
        %dma_start3A_301 = arith.constant 0 : i32
        %dma_start3A_302 = arith.constant 0 : i32
        %dma_start3A_303 = tpu.memref_slice %arg13[%dma_start3A_301, %dma_start3A_302] : memref<10240x8xf32, #tpu.memory_space<vmem_shared>> -> memref<10240x8xf32, #tpu.memory_space<vmem_shared>>
        tpu.enqueue_indirect_dma source(%arg16 : memref<256x8xf32, #tpu.memory_space<vmem>>) target(%dma_start3A_303 : memref<10240x8xf32, #tpu.memory_space<vmem_shared>>) offsets(%dma_start3A_300 : memref<256xi32, #tpu.memory_space<vmem>>) semaphore(%run_scoped3A_297 : memref<!tpu.dma_semaphore, #tpu.memory_space<semaphore_mem>>) {add = true}
        %dma_wait3A_304 = arith.constant 0 : i32
        %dma_wait3A_305 = tpu.memref_slice %arg14[%run_scoped3A_296, %dma_wait3A_304] : memref<2x256xi32, #tpu.memory_space<vmem>> -> memref<1x256xi32, #tpu.memory_space<vmem>>
        %dma_wait3A_306 = tpu.memref_squeeze %dma_wait3A_305 : memref<1x256xi32, #tpu.memory_space<vmem>> -> memref<256xi32, #tpu.memory_space<vmem>>
        %dma_wait3A_307 = arith.constant 0 : i32
        %dma_wait3A_308 = arith.constant 0 : i32
        %dma_wait3A_309 = tpu.memref_slice %arg13[%dma_wait3A_307, %dma_wait3A_308] : memref<10240x8xf32, #tpu.memory_space<vmem_shared>> -> memref<10240x8xf32, #tpu.memory_space<vmem_shared>>
        tpu.wait_indirect_dma semaphore(%run_scoped3A_297 : memref<!tpu.dma_semaphore, #tpu.memory_space<semaphore_mem>>) src(%arg16 : memref<256x8xf32, #tpu.memory_space<vmem>>) dst(%dma_wait3A_309 : memref<10240x8xf32, #tpu.memory_space<vmem_shared>>)
        tpu.yield
      }) : () -> ()
    }
    %scan3A_26 = arith.constant 80 : i32
    %mul3A_27 = arith.constant 4 : i32
    %mul3A_28 = arith.muli %arg1, %mul3A_27 : i32
    %add3A_29 = arith.constant 0 : i32
    %add3A_30 = arith.addi %mul3A_28, %add3A_29 : i32
    %run_scoped3A = arith.constant 0 : i32
    "tpu.region"() ({
      %run_scoped3A_279 = tpu.sem_alloc : memref<!tpu.dma_semaphore, #tpu.memory_space<semaphore_mem>>
      %dma_start3A_280 = arith.constant 0 : i32
      %dma_start3A_281 = tpu.memref_slice %arg14[%run_scoped3A, %dma_start3A_280] : memref<2x256xi32, #tpu.memory_space<vmem>> -> memref<1x256xi32, #tpu.memory_space<vmem>>
      %dma_start3A_282 = tpu.memref_squeeze %dma_start3A_281 : memref<1x256xi32, #tpu.memory_space<vmem>> -> memref<256xi32, #tpu.memory_space<vmem>>
      %dma_start3A_283 = arith.constant 0 : i32
      %dma_start3A_284 = tpu.memref_slice %arg4[%arg0, %add3A_30, %dma_start3A_283] : memref<2x64x256xi32, #tpu.memory_space<hbm>> -> memref<1x1x256xi32, #tpu.memory_space<hbm>>
      %dma_start3A_285 = tpu.memref_squeeze %dma_start3A_284 : memref<1x1x256xi32, #tpu.memory_space<hbm>> -> memref<256xi32, #tpu.memory_space<hbm>>
      %dma_start3A_286 = arith.constant 0 : i32
      %dma_start3A_287 = tpu.memref_slice %arg14[%run_scoped3A, %dma_start3A_286] : memref<2x256xi32, #tpu.memory_space<vmem>> -> memref<1x256xi32, #tpu.memory_space<vmem>>
      %dma_start3A_288 = tpu.memref_squeeze %dma_start3A_287 : memref<1x256xi32, #tpu.memory_space<vmem>> -> memref<256xi32, #tpu.memory_space<vmem>>
      %dma_start3A_289 = arith.constant 0 : i32
      %dma_start3A_290 = tpu.memref_slice %arg4[%arg0, %add3A_30, %dma_start3A_289] : memref<2x64x256xi32, #tpu.memory_space<hbm>> -> memref<1x1x256xi32, #tpu.memory_space<hbm>>
      %dma_start3A_291 = tpu.memref_squeeze %dma_start3A_290 : memref<1x1x256xi32, #tpu.memory_space<hbm>> -> memref<256xi32, #tpu.memory_space<hbm>>
      tpu.enqueue_dma source(%dma_start3A_291 : memref<256xi32, #tpu.memory_space<hbm>>) target(%dma_start3A_288 : memref<256xi32, #tpu.memory_space<vmem>>) target_semaphore(%run_scoped3A_279 : memref<!tpu.dma_semaphore, #tpu.memory_space<semaphore_mem>>)
      %dma_wait3A_292 = arith.constant 0 : i32
      %dma_wait3A_293 = tpu.memref_slice %arg14[%run_scoped3A, %dma_wait3A_292] : memref<2x256xi32, #tpu.memory_space<vmem>> -> memref<1x256xi32, #tpu.memory_space<vmem>>
      %dma_wait3A_294 = tpu.memref_squeeze %dma_wait3A_293 : memref<1x256xi32, #tpu.memory_space<vmem>> -> memref<256xi32, #tpu.memory_space<vmem>>
      %dma_wait3A_295 = arith.constant 0 : i32
      %dma_wait3A_296 = tpu.memref_slice %arg4[%arg0, %add3A_30, %dma_wait3A_295] : memref<2x64x256xi32, #tpu.memory_space<hbm>> -> memref<1x1x256xi32, #tpu.memory_space<hbm>>
      %dma_wait3A_297 = tpu.memref_squeeze %dma_wait3A_296 : memref<1x1x256xi32, #tpu.memory_space<hbm>> -> memref<256xi32, #tpu.memory_space<hbm>>
      %dma_wait3A_298 = arith.constant 0 : i32
      %dma_wait3A_299 = tpu.memref_slice %arg14[%run_scoped3A, %dma_wait3A_298] : memref<2x256xi32, #tpu.memory_space<vmem>> -> memref<1x256xi32, #tpu.memory_space<vmem>>
      %dma_wait3A_300 = tpu.memref_squeeze %dma_wait3A_299 : memref<1x256xi32, #tpu.memory_space<vmem>> -> memref<256xi32, #tpu.memory_space<vmem>>
      %dma_wait3A_301 = arith.constant 0 : i32
      %dma_wait3A_302 = tpu.memref_slice %arg4[%arg0, %add3A_30, %dma_wait3A_301] : memref<2x64x256xi32, #tpu.memory_space<hbm>> -> memref<1x1x256xi32, #tpu.memory_space<hbm>>
      %dma_wait3A_303 = tpu.memref_squeeze %dma_wait3A_302 : memref<1x1x256xi32, #tpu.memory_space<hbm>> -> memref<256xi32, #tpu.memory_space<hbm>>
      tpu.wait_dma2 semaphore(%run_scoped3A_279 : memref<!tpu.dma_semaphore, #tpu.memory_space<semaphore_mem>>) src(%dma_wait3A_303 : memref<256xi32, #tpu.memory_space<hbm>>) dst(%dma_wait3A_300 : memref<256xi32, #tpu.memory_space<vmem>>)
      tpu.yield
    }) : () -> ()
    %dma_start3A = arith.constant 0 : i32
    %dma_start3A_31 = arith.constant 0 : i32
    %dma_start3A_32 = tpu.memref_slice %arg14[%dma_start3A, %dma_start3A_31] : memref<2x256xi32, #tpu.memory_space<vmem>> -> memref<1x256xi32, #tpu.memory_space<vmem>>
    %dma_start3A_33 = tpu.memref_squeeze %dma_start3A_32 : memref<1x256xi32, #tpu.memory_space<vmem>> -> memref<256xi32, #tpu.memory_space<vmem>>
    %dma_start3A_34 = arith.constant 0 : i32
    %dma_start3A_35 = arith.constant 0 : i32
    %dma_start3A_36 = tpu.memref_slice %arg2[%dma_start3A_34, %dma_start3A_35] : memref<20000x128xf32, #tpu.memory_space<hbm>> -> memref<20000x128xf32, #tpu.memory_space<hbm>>
    tpu.enqueue_indirect_dma source(%dma_start3A_36 : memref<20000x128xf32, #tpu.memory_space<hbm>>) target(%arg15 : memref<256x128xf32, #tpu.memory_space<vmem>>) offsets(%dma_start3A_33 : memref<256xi32, #tpu.memory_space<vmem>>) semaphore(%arg17 : memref<!tpu.dma_semaphore, #tpu.memory_space<semaphore_mem>>)
    %dma_wait3A = arith.constant 0 : i32
    %dma_wait3A_37 = arith.constant 0 : i32
    %dma_wait3A_38 = tpu.memref_slice %arg14[%dma_wait3A, %dma_wait3A_37] : memref<2x256xi32, #tpu.memory_space<vmem>> -> memref<1x256xi32, #tpu.memory_space<vmem>>
    %dma_wait3A_39 = tpu.memref_squeeze %dma_wait3A_38 : memref<1x256xi32, #tpu.memory_space<vmem>> -> memref<256xi32, #tpu.memory_space<vmem>>
    %dma_wait3A_40 = arith.constant 0 : i32
    %dma_wait3A_41 = arith.constant 0 : i32
    %dma_wait3A_42 = tpu.memref_slice %arg2[%dma_wait3A_40, %dma_wait3A_41] : memref<20000x128xf32, #tpu.memory_space<hbm>> -> memref<20000x128xf32, #tpu.memory_space<hbm>>
    tpu.wait_indirect_dma semaphore(%arg17 : memref<!tpu.dma_semaphore, #tpu.memory_space<semaphore_mem>>) src(%dma_wait3A_42 : memref<20000x128xf32, #tpu.memory_space<hbm>>) dst(%arg15 : memref<256x128xf32, #tpu.memory_space<vmem>>)
    %add3A_43 = arith.constant 0 : i32
    %add3A_44 = arith.addi %mul3A_28, %add3A_43 : i32
    %mul3A_45 = arith.constant 256 : i32
    %mul3A_46 = arith.muli %add3A_44, %mul3A_45 : i32
    "tpu.region"() ({
      %run_scoped3A_279 = tpu.sem_alloc : memref<!tpu.dma_semaphore, #tpu.memory_space<semaphore_mem>>
      %dma_start3A_280 = arith.constant 0 : i32
      %dma_start3A_281 = tpu.memref_slice %arg10[%arg0, %mul3A_46, %dma_start3A_280] : memref<2x16384x128xf32, #tpu.memory_space<hbm>> -> memref<1x256x128xf32, #tpu.memory_space<hbm>>
      %dma_start3A_282 = tpu.memref_squeeze %dma_start3A_281 : memref<1x256x128xf32, #tpu.memory_space<hbm>> -> memref<256x128xf32, #tpu.memory_space<hbm>>
      %dma_start3A_283 = arith.constant 0 : i32
      %dma_start3A_284 = tpu.memref_slice %arg10[%arg0, %mul3A_46, %dma_start3A_283] : memref<2x16384x128xf32, #tpu.memory_space<hbm>> -> memref<1x256x128xf32, #tpu.memory_space<hbm>>
      %dma_start3A_285 = tpu.memref_squeeze %dma_start3A_284 : memref<1x256x128xf32, #tpu.memory_space<hbm>> -> memref<256x128xf32, #tpu.memory_space<hbm>>
      tpu.enqueue_dma source(%arg15 : memref<256x128xf32, #tpu.memory_space<vmem>>) target(%dma_start3A_285 : memref<256x128xf32, #tpu.memory_space<hbm>>) target_semaphore(%run_scoped3A_279 : memref<!tpu.dma_semaphore, #tpu.memory_space<semaphore_mem>>)
      %dma_wait3A_286 = arith.constant 0 : i32
      %dma_wait3A_287 = tpu.memref_slice %arg10[%arg0, %mul3A_46, %dma_wait3A_286] : memref<2x16384x128xf32, #tpu.memory_space<hbm>> -> memref<1x256x128xf32, #tpu.memory_space<hbm>>
      %dma_wait3A_288 = tpu.memref_squeeze %dma_wait3A_287 : memref<1x256x128xf32, #tpu.memory_space<hbm>> -> memref<256x128xf32, #tpu.memory_space<hbm>>
      %dma_wait3A_289 = arith.constant 0 : i32
      %dma_wait3A_290 = tpu.memref_slice %arg10[%arg0, %mul3A_46, %dma_wait3A_289] : memref<2x16384x128xf32, #tpu.memory_space<hbm>> -> memref<1x256x128xf32, #tpu.memory_space<hbm>>
      %dma_wait3A_291 = tpu.memref_squeeze %dma_wait3A_290 : memref<1x256x128xf32, #tpu.memory_space<hbm>> -> memref<256x128xf32, #tpu.memory_space<hbm>>
      tpu.wait_dma2 semaphore(%run_scoped3A_279 : memref<!tpu.dma_semaphore, #tpu.memory_space<semaphore_mem>>) src(%arg15 : memref<256x128xf32, #tpu.memory_space<vmem>>) dst(%dma_wait3A_291 : memref<256x128xf32, #tpu.memory_space<hbm>>)
      tpu.yield
    }) : () -> ()
    %add3A_47 = arith.constant 1 : i32
    %add3A_48 = arith.addi %mul3A_28, %add3A_47 : i32
    %run_scoped3A_49 = arith.constant 0 : i32
    "tpu.region"() ({
      %run_scoped3A_279 = tpu.sem_alloc : memref<!tpu.dma_semaphore, #tpu.memory_space<semaphore_mem>>
      %dma_start3A_280 = arith.constant 0 : i32
      %dma_start3A_281 = tpu.memref_slice %arg14[%run_scoped3A_49, %dma_start3A_280] : memref<2x256xi32, #tpu.memory_space<vmem>> -> memref<1x256xi32, #tpu.memory_space<vmem>>
      %dma_start3A_282 = tpu.memref_squeeze %dma_start3A_281 : memref<1x256xi32, #tpu.memory_space<vmem>> -> memref<256xi32, #tpu.memory_space<vmem>>
      %dma_start3A_283 = arith.constant 0 : i32
      %dma_start3A_284 = tpu.memref_slice %arg4[%arg0, %add3A_48, %dma_start3A_283] : memref<2x64x256xi32, #tpu.memory_space<hbm>> -> memref<1x1x256xi32, #tpu.memory_space<hbm>>
      %dma_start3A_285 = tpu.memref_squeeze %dma_start3A_284 : memref<1x1x256xi32, #tpu.memory_space<hbm>> -> memref<256xi32, #tpu.memory_space<hbm>>
      %dma_start3A_286 = arith.constant 0 : i32
      %dma_start3A_287 = tpu.memref_slice %arg14[%run_scoped3A_49, %dma_start3A_286] : memref<2x256xi32, #tpu.memory_space<vmem>> -> memref<1x256xi32, #tpu.memory_space<vmem>>
      %dma_start3A_288 = tpu.memref_squeeze %dma_start3A_287 : memref<1x256xi32, #tpu.memory_space<vmem>> -> memref<256xi32, #tpu.memory_space<vmem>>
      %dma_start3A_289 = arith.constant 0 : i32
      %dma_start3A_290 = tpu.memref_slice %arg4[%arg0, %add3A_48, %dma_start3A_289] : memref<2x64x256xi32, #tpu.memory_space<hbm>> -> memref<1x1x256xi32, #tpu.memory_space<hbm>>
      %dma_start3A_291 = tpu.memref_squeeze %dma_start3A_290 : memref<1x1x256xi32, #tpu.memory_space<hbm>> -> memref<256xi32, #tpu.memory_space<hbm>>
      tpu.enqueue_dma source(%dma_start3A_291 : memref<256xi32, #tpu.memory_space<hbm>>) target(%dma_start3A_288 : memref<256xi32, #tpu.memory_space<vmem>>) target_semaphore(%run_scoped3A_279 : memref<!tpu.dma_semaphore, #tpu.memory_space<semaphore_mem>>)
      %dma_wait3A_292 = arith.constant 0 : i32
      %dma_wait3A_293 = tpu.memref_slice %arg14[%run_scoped3A_49, %dma_wait3A_292] : memref<2x256xi32, #tpu.memory_space<vmem>> -> memref<1x256xi32, #tpu.memory_space<vmem>>
      %dma_wait3A_294 = tpu.memref_squeeze %dma_wait3A_293 : memref<1x256xi32, #tpu.memory_space<vmem>> -> memref<256xi32, #tpu.memory_space<vmem>>
      %dma_wait3A_295 = arith.constant 0 : i32
      %dma_wait3A_296 = tpu.memref_slice %arg4[%arg0, %add3A_48, %dma_wait3A_295] : memref<2x64x256xi32, #tpu.memory_space<hbm>> -> memref<1x1x256xi32, #tpu.memory_space<hbm>>
      %dma_wait3A_297 = tpu.memref_squeeze %dma_wait3A_296 : memref<1x1x256xi32, #tpu.memory_space<hbm>> -> memref<256xi32, #tpu.memory_space<hbm>>
      %dma_wait3A_298 = arith.constant 0 : i32
      %dma_wait3A_299 = tpu.memref_slice %arg14[%run_scoped3A_49, %dma_wait3A_298] : memref<2x256xi32, #tpu.memory_space<vmem>> -> memref<1x256xi32, #tpu.memory_space<vmem>>
      %dma_wait3A_300 = tpu.memref_squeeze %dma_wait3A_299 : memref<1x256xi32, #tpu.memory_space<vmem>> -> memref<256xi32, #tpu.memory_space<vmem>>
      %dma_wait3A_301 = arith.constant 0 : i32
      %dma_wait3A_302 = tpu.memref_slice %arg4[%arg0, %add3A_48, %dma_wait3A_301] : memref<2x64x256xi32, #tpu.memory_space<hbm>> -> memref<1x1x256xi32, #tpu.memory_space<hbm>>
      %dma_wait3A_303 = tpu.memref_squeeze %dma_wait3A_302 : memref<1x1x256xi32, #tpu.memory_space<hbm>> -> memref<256xi32, #tpu.memory_space<hbm>>
      tpu.wait_dma2 semaphore(%run_scoped3A_279 : memref<!tpu.dma_semaphore, #tpu.memory_space<semaphore_mem>>) src(%dma_wait3A_303 : memref<256xi32, #tpu.memory_space<hbm>>) dst(%dma_wait3A_300 : memref<256xi32, #tpu.memory_space<vmem>>)
      tpu.yield
    }) : () -> ()
    %dma_start3A_50 = arith.constant 0 : i32
    %dma_start3A_51 = arith.constant 0 : i32
    %dma_start3A_52 = tpu.memref_slice %arg14[%dma_start3A_50, %dma_start3A_51] : memref<2x256xi32, #tpu.memory_space<vmem>> -> memref<1x256xi32, #tpu.memory_space<vmem>>
    %dma_start3A_53 = tpu.memref_squeeze %dma_start3A_52 : memref<1x256xi32, #tpu.memory_space<vmem>> -> memref<256xi32, #tpu.memory_space<vmem>>
    %dma_start3A_54 = arith.constant 0 : i32
    %dma_start3A_55 = arith.constant 0 : i32
    %dma_start3A_56 = tpu.memref_slice %arg2[%dma_start3A_54, %dma_start3A_55] : memref<20000x128xf32, #tpu.memory_space<hbm>> -> memref<20000x128xf32, #tpu.memory_space<hbm>>
    tpu.enqueue_indirect_dma source(%dma_start3A_56 : memref<20000x128xf32, #tpu.memory_space<hbm>>) target(%arg15 : memref<256x128xf32, #tpu.memory_space<vmem>>) offsets(%dma_start3A_53 : memref<256xi32, #tpu.memory_space<vmem>>) semaphore(%arg17 : memref<!tpu.dma_semaphore, #tpu.memory_space<semaphore_mem>>)
    %dma_wait3A_57 = arith.constant 0 : i32
    %dma_wait3A_58 = arith.constant 0 : i32
    %dma_wait3A_59 = tpu.memref_slice %arg14[%dma_wait3A_57, %dma_wait3A_58] : memref<2x256xi32, #tpu.memory_space<vmem>> -> memref<1x256xi32, #tpu.memory_space<vmem>>
    %dma_wait3A_60 = tpu.memref_squeeze %dma_wait3A_59 : memref<1x256xi32, #tpu.memory_space<vmem>> -> memref<256xi32, #tpu.memory_space<vmem>>
    %dma_wait3A_61 = arith.constant 0 : i32
    %dma_wait3A_62 = arith.constant 0 : i32
    %dma_wait3A_63 = tpu.memref_slice %arg2[%dma_wait3A_61, %dma_wait3A_62] : memref<20000x128xf32, #tpu.memory_space<hbm>> -> memref<20000x128xf32, #tpu.memory_space<hbm>>
    tpu.wait_indirect_dma semaphore(%arg17 : memref<!tpu.dma_semaphore, #tpu.memory_space<semaphore_mem>>) src(%dma_wait3A_63 : memref<20000x128xf32, #tpu.memory_space<hbm>>) dst(%arg15 : memref<256x128xf32, #tpu.memory_space<vmem>>)
    %add3A_64 = arith.constant 1 : i32
    %add3A_65 = arith.addi %mul3A_28, %add3A_64 : i32
    %mul3A_66 = arith.constant 256 : i32
    %mul3A_67 = arith.muli %add3A_65, %mul3A_66 : i32
    "tpu.region"() ({
      %run_scoped3A_279 = tpu.sem_alloc : memref<!tpu.dma_semaphore, #tpu.memory_space<semaphore_mem>>
      %dma_start3A_280 = arith.constant 0 : i32
      %dma_start3A_281 = tpu.memref_slice %arg10[%arg0, %mul3A_67, %dma_start3A_280] : memref<2x16384x128xf32, #tpu.memory_space<hbm>> -> memref<1x256x128xf32, #tpu.memory_space<hbm>>
      %dma_start3A_282 = tpu.memref_squeeze %dma_start3A_281 : memref<1x256x128xf32, #tpu.memory_space<hbm>> -> memref<256x128xf32, #tpu.memory_space<hbm>>
      %dma_start3A_283 = arith.constant 0 : i32
      %dma_start3A_284 = tpu.memref_slice %arg10[%arg0, %mul3A_67, %dma_start3A_283] : memref<2x16384x128xf32, #tpu.memory_space<hbm>> -> memref<1x256x128xf32, #tpu.memory_space<hbm>>
      %dma_start3A_285 = tpu.memref_squeeze %dma_start3A_284 : memref<1x256x128xf32, #tpu.memory_space<hbm>> -> memref<256x128xf32, #tpu.memory_space<hbm>>
      tpu.enqueue_dma source(%arg15 : memref<256x128xf32, #tpu.memory_space<vmem>>) target(%dma_start3A_285 : memref<256x128xf32, #tpu.memory_space<hbm>>) target_semaphore(%run_scoped3A_279 : memref<!tpu.dma_semaphore, #tpu.memory_space<semaphore_mem>>)
      %dma_wait3A_286 = arith.constant 0 : i32
      %dma_wait3A_287 = tpu.memref_slice %arg10[%arg0, %mul3A_67, %dma_wait3A_286] : memref<2x16384x128xf32, #tpu.memory_space<hbm>> -> memref<1x256x128xf32, #tpu.memory_space<hbm>>
      %dma_wait3A_288 = tpu.memref_squeeze %dma_wait3A_287 : memref<1x256x128xf32, #tpu.memory_space<hbm>> -> memref<256x128xf32, #tpu.memory_space<hbm>>
      %dma_wait3A_289 = arith.constant 0 : i32
      %dma_wait3A_290 = tpu.memref_slice %arg10[%arg0, %mul3A_67, %dma_wait3A_289] : memref<2x16384x128xf32, #tpu.memory_space<hbm>> -> memref<1x256x128xf32, #tpu.memory_space<hbm>>
      %dma_wait3A_291 = tpu.memref_squeeze %dma_wait3A_290 : memref<1x256x128xf32, #tpu.memory_space<hbm>> -> memref<256x128xf32, #tpu.memory_space<hbm>>
      tpu.wait_dma2 semaphore(%run_scoped3A_279 : memref<!tpu.dma_semaphore, #tpu.memory_space<semaphore_mem>>) src(%arg15 : memref<256x128xf32, #tpu.memory_space<vmem>>) dst(%dma_wait3A_291 : memref<256x128xf32, #tpu.memory_space<hbm>>)
      tpu.yield
    }) : () -> ()
    %add3A_68 = arith.constant 2 : i32
    %add3A_69 = arith.addi %mul3A_28, %add3A_68 : i32
    %run_scoped3A_70 = arith.constant 0 : i32
    "tpu.region"() ({
      %run_scoped3A_279 = tpu.sem_alloc : memref<!tpu.dma_semaphore, #tpu.memory_space<semaphore_mem>>
      %dma_start3A_280 = arith.constant 0 : i32
      %dma_start3A_281 = tpu.memref_slice %arg14[%run_scoped3A_70, %dma_start3A_280] : memref<2x256xi32, #tpu.memory_space<vmem>> -> memref<1x256xi32, #tpu.memory_space<vmem>>
      %dma_start3A_282 = tpu.memref_squeeze %dma_start3A_281 : memref<1x256xi32, #tpu.memory_space<vmem>> -> memref<256xi32, #tpu.memory_space<vmem>>
      %dma_start3A_283 = arith.constant 0 : i32
      %dma_start3A_284 = tpu.memref_slice %arg4[%arg0, %add3A_69, %dma_start3A_283] : memref<2x64x256xi32, #tpu.memory_space<hbm>> -> memref<1x1x256xi32, #tpu.memory_space<hbm>>
      %dma_start3A_285 = tpu.memref_squeeze %dma_start3A_284 : memref<1x1x256xi32, #tpu.memory_space<hbm>> -> memref<256xi32, #tpu.memory_space<hbm>>
      %dma_start3A_286 = arith.constant 0 : i32
      %dma_start3A_287 = tpu.memref_slice %arg14[%run_scoped3A_70, %dma_start3A_286] : memref<2x256xi32, #tpu.memory_space<vmem>> -> memref<1x256xi32, #tpu.memory_space<vmem>>
      %dma_start3A_288 = tpu.memref_squeeze %dma_start3A_287 : memref<1x256xi32, #tpu.memory_space<vmem>> -> memref<256xi32, #tpu.memory_space<vmem>>
      %dma_start3A_289 = arith.constant 0 : i32
      %dma_start3A_290 = tpu.memref_slice %arg4[%arg0, %add3A_69, %dma_start3A_289] : memref<2x64x256xi32, #tpu.memory_space<hbm>> -> memref<1x1x256xi32, #tpu.memory_space<hbm>>
      %dma_start3A_291 = tpu.memref_squeeze %dma_start3A_290 : memref<1x1x256xi32, #tpu.memory_space<hbm>> -> memref<256xi32, #tpu.memory_space<hbm>>
      tpu.enqueue_dma source(%dma_start3A_291 : memref<256xi32, #tpu.memory_space<hbm>>) target(%dma_start3A_288 : memref<256xi32, #tpu.memory_space<vmem>>) target_semaphore(%run_scoped3A_279 : memref<!tpu.dma_semaphore, #tpu.memory_space<semaphore_mem>>)
      %dma_wait3A_292 = arith.constant 0 : i32
      %dma_wait3A_293 = tpu.memref_slice %arg14[%run_scoped3A_70, %dma_wait3A_292] : memref<2x256xi32, #tpu.memory_space<vmem>> -> memref<1x256xi32, #tpu.memory_space<vmem>>
      %dma_wait3A_294 = tpu.memref_squeeze %dma_wait3A_293 : memref<1x256xi32, #tpu.memory_space<vmem>> -> memref<256xi32, #tpu.memory_space<vmem>>
      %dma_wait3A_295 = arith.constant 0 : i32
      %dma_wait3A_296 = tpu.memref_slice %arg4[%arg0, %add3A_69, %dma_wait3A_295] : memref<2x64x256xi32, #tpu.memory_space<hbm>> -> memref<1x1x256xi32, #tpu.memory_space<hbm>>
      %dma_wait3A_297 = tpu.memref_squeeze %dma_wait3A_296 : memref<1x1x256xi32, #tpu.memory_space<hbm>> -> memref<256xi32, #tpu.memory_space<hbm>>
      %dma_wait3A_298 = arith.constant 0 : i32
      %dma_wait3A_299 = tpu.memref_slice %arg14[%run_scoped3A_70, %dma_wait3A_298] : memref<2x256xi32, #tpu.memory_space<vmem>> -> memref<1x256xi32, #tpu.memory_space<vmem>>
      %dma_wait3A_300 = tpu.memref_squeeze %dma_wait3A_299 : memref<1x256xi32, #tpu.memory_space<vmem>> -> memref<256xi32, #tpu.memory_space<vmem>>
      %dma_wait3A_301 = arith.constant 0 : i32
      %dma_wait3A_302 = tpu.memref_slice %arg4[%arg0, %add3A_69, %dma_wait3A_301] : memref<2x64x256xi32, #tpu.memory_space<hbm>> -> memref<1x1x256xi32, #tpu.memory_space<hbm>>
      %dma_wait3A_303 = tpu.memref_squeeze %dma_wait3A_302 : memref<1x1x256xi32, #tpu.memory_space<hbm>> -> memref<256xi32, #tpu.memory_space<hbm>>
      tpu.wait_dma2 semaphore(%run_scoped3A_279 : memref<!tpu.dma_semaphore, #tpu.memory_space<semaphore_mem>>) src(%dma_wait3A_303 : memref<256xi32, #tpu.memory_space<hbm>>) dst(%dma_wait3A_300 : memref<256xi32, #tpu.memory_space<vmem>>)
      tpu.yield
    }) : () -> ()
    %dma_start3A_71 = arith.constant 0 : i32
    %dma_start3A_72 = arith.constant 0 : i32
    %dma_start3A_73 = tpu.memref_slice %arg14[%dma_start3A_71, %dma_start3A_72] : memref<2x256xi32, #tpu.memory_space<vmem>> -> memref<1x256xi32, #tpu.memory_space<vmem>>
    %dma_start3A_74 = tpu.memref_squeeze %dma_start3A_73 : memref<1x256xi32, #tpu.memory_space<vmem>> -> memref<256xi32, #tpu.memory_space<vmem>>
    %dma_start3A_75 = arith.constant 0 : i32
    %dma_start3A_76 = arith.constant 0 : i32
    %dma_start3A_77 = tpu.memref_slice %arg2[%dma_start3A_75, %dma_start3A_76] : memref<20000x128xf32, #tpu.memory_space<hbm>> -> memref<20000x128xf32, #tpu.memory_space<hbm>>
    tpu.enqueue_indirect_dma source(%dma_start3A_77 : memref<20000x128xf32, #tpu.memory_space<hbm>>) target(%arg15 : memref<256x128xf32, #tpu.memory_space<vmem>>) offsets(%dma_start3A_74 : memref<256xi32, #tpu.memory_space<vmem>>) semaphore(%arg17 : memref<!tpu.dma_semaphore, #tpu.memory_space<semaphore_mem>>)
    %dma_wait3A_78 = arith.constant 0 : i32
    %dma_wait3A_79 = arith.constant 0 : i32
    %dma_wait3A_80 = tpu.memref_slice %arg14[%dma_wait3A_78, %dma_wait3A_79] : memref<2x256xi32, #tpu.memory_space<vmem>> -> memref<1x256xi32, #tpu.memory_space<vmem>>
    %dma_wait3A_81 = tpu.memref_squeeze %dma_wait3A_80 : memref<1x256xi32, #tpu.memory_space<vmem>> -> memref<256xi32, #tpu.memory_space<vmem>>
    %dma_wait3A_82 = arith.constant 0 : i32
    %dma_wait3A_83 = arith.constant 0 : i32
    %dma_wait3A_84 = tpu.memref_slice %arg2[%dma_wait3A_82, %dma_wait3A_83] : memref<20000x128xf32, #tpu.memory_space<hbm>> -> memref<20000x128xf32, #tpu.memory_space<hbm>>
    tpu.wait_indirect_dma semaphore(%arg17 : memref<!tpu.dma_semaphore, #tpu.memory_space<semaphore_mem>>) src(%dma_wait3A_84 : memref<20000x128xf32, #tpu.memory_space<hbm>>) dst(%arg15 : memref<256x128xf32, #tpu.memory_space<vmem>>)
    %add3A_85 = arith.constant 2 : i32
    %add3A_86 = arith.addi %mul3A_28, %add3A_85 : i32
    %mul3A_87 = arith.constant 256 : i32
    %mul3A_88 = arith.muli %add3A_86, %mul3A_87 : i32
    "tpu.region"() ({
      %run_scoped3A_279 = tpu.sem_alloc : memref<!tpu.dma_semaphore, #tpu.memory_space<semaphore_mem>>
      %dma_start3A_280 = arith.constant 0 : i32
      %dma_start3A_281 = tpu.memref_slice %arg10[%arg0, %mul3A_88, %dma_start3A_280] : memref<2x16384x128xf32, #tpu.memory_space<hbm>> -> memref<1x256x128xf32, #tpu.memory_space<hbm>>
      %dma_start3A_282 = tpu.memref_squeeze %dma_start3A_281 : memref<1x256x128xf32, #tpu.memory_space<hbm>> -> memref<256x128xf32, #tpu.memory_space<hbm>>
      %dma_start3A_283 = arith.constant 0 : i32
      %dma_start3A_284 = tpu.memref_slice %arg10[%arg0, %mul3A_88, %dma_start3A_283] : memref<2x16384x128xf32, #tpu.memory_space<hbm>> -> memref<1x256x128xf32, #tpu.memory_space<hbm>>
      %dma_start3A_285 = tpu.memref_squeeze %dma_start3A_284 : memref<1x256x128xf32, #tpu.memory_space<hbm>> -> memref<256x128xf32, #tpu.memory_space<hbm>>
      tpu.enqueue_dma source(%arg15 : memref<256x128xf32, #tpu.memory_space<vmem>>) target(%dma_start3A_285 : memref<256x128xf32, #tpu.memory_space<hbm>>) target_semaphore(%run_scoped3A_279 : memref<!tpu.dma_semaphore, #tpu.memory_space<semaphore_mem>>)
      %dma_wait3A_286 = arith.constant 0 : i32
      %dma_wait3A_287 = tpu.memref_slice %arg10[%arg0, %mul3A_88, %dma_wait3A_286] : memref<2x16384x128xf32, #tpu.memory_space<hbm>> -> memref<1x256x128xf32, #tpu.memory_space<hbm>>
      %dma_wait3A_288 = tpu.memref_squeeze %dma_wait3A_287 : memref<1x256x128xf32, #tpu.memory_space<hbm>> -> memref<256x128xf32, #tpu.memory_space<hbm>>
      %dma_wait3A_289 = arith.constant 0 : i32
      %dma_wait3A_290 = tpu.memref_slice %arg10[%arg0, %mul3A_88, %dma_wait3A_289] : memref<2x16384x128xf32, #tpu.memory_space<hbm>> -> memref<1x256x128xf32, #tpu.memory_space<hbm>>
      %dma_wait3A_291 = tpu.memref_squeeze %dma_wait3A_290 : memref<1x256x128xf32, #tpu.memory_space<hbm>> -> memref<256x128xf32, #tpu.memory_space<hbm>>
      tpu.wait_dma2 semaphore(%run_scoped3A_279 : memref<!tpu.dma_semaphore, #tpu.memory_space<semaphore_mem>>) src(%arg15 : memref<256x128xf32, #tpu.memory_space<vmem>>) dst(%dma_wait3A_291 : memref<256x128xf32, #tpu.memory_space<hbm>>)
      tpu.yield
    }) : () -> ()
    %add3A_89 = arith.constant 3 : i32
    %add3A_90 = arith.addi %mul3A_28, %add3A_89 : i32
    %run_scoped3A_91 = arith.constant 0 : i32
    "tpu.region"() ({
      %run_scoped3A_279 = tpu.sem_alloc : memref<!tpu.dma_semaphore, #tpu.memory_space<semaphore_mem>>
      %dma_start3A_280 = arith.constant 0 : i32
      %dma_start3A_281 = tpu.memref_slice %arg14[%run_scoped3A_91, %dma_start3A_280] : memref<2x256xi32, #tpu.memory_space<vmem>> -> memref<1x256xi32, #tpu.memory_space<vmem>>
      %dma_start3A_282 = tpu.memref_squeeze %dma_start3A_281 : memref<1x256xi32, #tpu.memory_space<vmem>> -> memref<256xi32, #tpu.memory_space<vmem>>
      %dma_start3A_283 = arith.constant 0 : i32
      %dma_start3A_284 = tpu.memref_slice %arg4[%arg0, %add3A_90, %dma_start3A_283] : memref<2x64x256xi32, #tpu.memory_space<hbm>> -> memref<1x1x256xi32, #tpu.memory_space<hbm>>
      %dma_start3A_285 = tpu.memref_squeeze %dma_start3A_284 : memref<1x1x256xi32, #tpu.memory_space<hbm>> -> memref<256xi32, #tpu.memory_space<hbm>>
      %dma_start3A_286 = arith.constant 0 : i32
      %dma_start3A_287 = tpu.memref_slice %arg14[%run_scoped3A_91, %dma_start3A_286] : memref<2x256xi32, #tpu.memory_space<vmem>> -> memref<1x256xi32, #tpu.memory_space<vmem>>
      %dma_start3A_288 = tpu.memref_squeeze %dma_start3A_287 : memref<1x256xi32, #tpu.memory_space<vmem>> -> memref<256xi32, #tpu.memory_space<vmem>>
      %dma_start3A_289 = arith.constant 0 : i32
      %dma_start3A_290 = tpu.memref_slice %arg4[%arg0, %add3A_90, %dma_start3A_289] : memref<2x64x256xi32, #tpu.memory_space<hbm>> -> memref<1x1x256xi32, #tpu.memory_space<hbm>>
      %dma_start3A_291 = tpu.memref_squeeze %dma_start3A_290 : memref<1x1x256xi32, #tpu.memory_space<hbm>> -> memref<256xi32, #tpu.memory_space<hbm>>
      tpu.enqueue_dma source(%dma_start3A_291 : memref<256xi32, #tpu.memory_space<hbm>>) target(%dma_start3A_288 : memref<256xi32, #tpu.memory_space<vmem>>) target_semaphore(%run_scoped3A_279 : memref<!tpu.dma_semaphore, #tpu.memory_space<semaphore_mem>>)
      %dma_wait3A_292 = arith.constant 0 : i32
      %dma_wait3A_293 = tpu.memref_slice %arg14[%run_scoped3A_91, %dma_wait3A_292] : memref<2x256xi32, #tpu.memory_space<vmem>> -> memref<1x256xi32, #tpu.memory_space<vmem>>
      %dma_wait3A_294 = tpu.memref_squeeze %dma_wait3A_293 : memref<1x256xi32, #tpu.memory_space<vmem>> -> memref<256xi32, #tpu.memory_space<vmem>>
      %dma_wait3A_295 = arith.constant 0 : i32
      %dma_wait3A_296 = tpu.memref_slice %arg4[%arg0, %add3A_90, %dma_wait3A_295] : memref<2x64x256xi32, #tpu.memory_space<hbm>> -> memref<1x1x256xi32, #tpu.memory_space<hbm>>
      %dma_wait3A_297 = tpu.memref_squeeze %dma_wait3A_296 : memref<1x1x256xi32, #tpu.memory_space<hbm>> -> memref<256xi32, #tpu.memory_space<hbm>>
      %dma_wait3A_298 = arith.constant 0 : i32
      %dma_wait3A_299 = tpu.memref_slice %arg14[%run_scoped3A_91, %dma_wait3A_298] : memref<2x256xi32, #tpu.memory_space<vmem>> -> memref<1x256xi32, #tpu.memory_space<vmem>>
      %dma_wait3A_300 = tpu.memref_squeeze %dma_wait3A_299 : memref<1x256xi32, #tpu.memory_space<vmem>> -> memref<256xi32, #tpu.memory_space<vmem>>
      %dma_wait3A_301 = arith.constant 0 : i32
      %dma_wait3A_302 = tpu.memref_slice %arg4[%arg0, %add3A_90, %dma_wait3A_301] : memref<2x64x256xi32, #tpu.memory_space<hbm>> -> memref<1x1x256xi32, #tpu.memory_space<hbm>>
      %dma_wait3A_303 = tpu.memref_squeeze %dma_wait3A_302 : memref<1x1x256xi32, #tpu.memory_space<hbm>> -> memref<256xi32, #tpu.memory_space<hbm>>
      tpu.wait_dma2 semaphore(%run_scoped3A_279 : memref<!tpu.dma_semaphore, #tpu.memory_space<semaphore_mem>>) src(%dma_wait3A_303 : memref<256xi32, #tpu.memory_space<hbm>>) dst(%dma_wait3A_300 : memref<256xi32, #tpu.memory_space<vmem>>)
      tpu.yield
    }) : () -> ()
    %dma_start3A_92 = arith.constant 0 : i32
    %dma_start3A_93 = arith.constant 0 : i32
    %dma_start3A_94 = tpu.memref_slice %arg14[%dma_start3A_92, %dma_start3A_93] : memref<2x256xi32, #tpu.memory_space<vmem>> -> memref<1x256xi32, #tpu.memory_space<vmem>>
    %dma_start3A_95 = tpu.memref_squeeze %dma_start3A_94 : memref<1x256xi32, #tpu.memory_space<vmem>> -> memref<256xi32, #tpu.memory_space<vmem>>
    %dma_start3A_96 = arith.constant 0 : i32
    %dma_start3A_97 = arith.constant 0 : i32
    %dma_start3A_98 = tpu.memref_slice %arg2[%dma_start3A_96, %dma_start3A_97] : memref<20000x128xf32, #tpu.memory_space<hbm>> -> memref<20000x128xf32, #tpu.memory_space<hbm>>
    tpu.enqueue_indirect_dma source(%dma_start3A_98 : memref<20000x128xf32, #tpu.memory_space<hbm>>) target(%arg15 : memref<256x128xf32, #tpu.memory_space<vmem>>) offsets(%dma_start3A_95 : memref<256xi32, #tpu.memory_space<vmem>>) semaphore(%arg17 : memref<!tpu.dma_semaphore, #tpu.memory_space<semaphore_mem>>)
    %dma_wait3A_99 = arith.constant 0 : i32
    %dma_wait3A_100 = arith.constant 0 : i32
    %dma_wait3A_101 = tpu.memref_slice %arg14[%dma_wait3A_99, %dma_wait3A_100] : memref<2x256xi32, #tpu.memory_space<vmem>> -> memref<1x256xi32, #tpu.memory_space<vmem>>
    %dma_wait3A_102 = tpu.memref_squeeze %dma_wait3A_101 : memref<1x256xi32, #tpu.memory_space<vmem>> -> memref<256xi32, #tpu.memory_space<vmem>>
    %dma_wait3A_103 = arith.constant 0 : i32
    %dma_wait3A_104 = arith.constant 0 : i32
    %dma_wait3A_105 = tpu.memref_slice %arg2[%dma_wait3A_103, %dma_wait3A_104] : memref<20000x128xf32, #tpu.memory_space<hbm>> -> memref<20000x128xf32, #tpu.memory_space<hbm>>
    tpu.wait_indirect_dma semaphore(%arg17 : memref<!tpu.dma_semaphore, #tpu.memory_space<semaphore_mem>>) src(%dma_wait3A_105 : memref<20000x128xf32, #tpu.memory_space<hbm>>) dst(%arg15 : memref<256x128xf32, #tpu.memory_space<vmem>>)
    %add3A_106 = arith.constant 3 : i32
    %add3A_107 = arith.addi %mul3A_28, %add3A_106 : i32
    %mul3A_108 = arith.constant 256 : i32
    %mul3A_109 = arith.muli %add3A_107, %mul3A_108 : i32
    "tpu.region"() ({
      %run_scoped3A_279 = tpu.sem_alloc : memref<!tpu.dma_semaphore, #tpu.memory_space<semaphore_mem>>
      %dma_start3A_280 = arith.constant 0 : i32
      %dma_start3A_281 = tpu.memref_slice %arg10[%arg0, %mul3A_109, %dma_start3A_280] : memref<2x16384x128xf32, #tpu.memory_space<hbm>> -> memref<1x256x128xf32, #tpu.memory_space<hbm>>
      %dma_start3A_282 = tpu.memref_squeeze %dma_start3A_281 : memref<1x256x128xf32, #tpu.memory_space<hbm>> -> memref<256x128xf32, #tpu.memory_space<hbm>>
      %dma_start3A_283 = arith.constant 0 : i32
      %dma_start3A_284 = tpu.memref_slice %arg10[%arg0, %mul3A_109, %dma_start3A_283] : memref<2x16384x128xf32, #tpu.memory_space<hbm>> -> memref<1x256x128xf32, #tpu.memory_space<hbm>>
      %dma_start3A_285 = tpu.memref_squeeze %dma_start3A_284 : memref<1x256x128xf32, #tpu.memory_space<hbm>> -> memref<256x128xf32, #tpu.memory_space<hbm>>
      tpu.enqueue_dma source(%arg15 : memref<256x128xf32, #tpu.memory_space<vmem>>) target(%dma_start3A_285 : memref<256x128xf32, #tpu.memory_space<hbm>>) target_semaphore(%run_scoped3A_279 : memref<!tpu.dma_semaphore, #tpu.memory_space<semaphore_mem>>)
      %dma_wait3A_286 = arith.constant 0 : i32
      %dma_wait3A_287 = tpu.memref_slice %arg10[%arg0, %mul3A_109, %dma_wait3A_286] : memref<2x16384x128xf32, #tpu.memory_space<hbm>> -> memref<1x256x128xf32, #tpu.memory_space<hbm>>
      %dma_wait3A_288 = tpu.memref_squeeze %dma_wait3A_287 : memref<1x256x128xf32, #tpu.memory_space<hbm>> -> memref<256x128xf32, #tpu.memory_space<hbm>>
      %dma_wait3A_289 = arith.constant 0 : i32
      %dma_wait3A_290 = tpu.memref_slice %arg10[%arg0, %mul3A_109, %dma_wait3A_289] : memref<2x16384x128xf32, #tpu.memory_space<hbm>> -> memref<1x256x128xf32, #tpu.memory_space<hbm>>
      %dma_wait3A_291 = tpu.memref_squeeze %dma_wait3A_290 : memref<1x256x128xf32, #tpu.memory_space<hbm>> -> memref<256x128xf32, #tpu.memory_space<hbm>>
      tpu.wait_dma2 semaphore(%run_scoped3A_279 : memref<!tpu.dma_semaphore, #tpu.memory_space<semaphore_mem>>) src(%arg15 : memref<256x128xf32, #tpu.memory_space<vmem>>) dst(%dma_wait3A_291 : memref<256x128xf32, #tpu.memory_space<hbm>>)
      tpu.yield
    }) : () -> ()
    %barrier3A_110 = arith.constant 0 : index
    tpu.barrier barrier_id(%barrier3A_110)
    %add3A_111 = arith.constant 0 : i32
    %add3A_112 = arith.addi %mul3A_28, %add3A_111 : i32
    %run_scoped3A_113 = arith.constant 0 : i32
    "tpu.region"() ({
      %run_scoped3A_279 = tpu.sem_alloc : memref<!tpu.dma_semaphore, #tpu.memory_space<semaphore_mem>>
      %dma_start3A_280 = arith.constant 0 : i32
      %dma_start3A_281 = tpu.memref_slice %arg14[%run_scoped3A_113, %dma_start3A_280] : memref<2x256xi32, #tpu.memory_space<vmem>> -> memref<1x256xi32, #tpu.memory_space<vmem>>
      %dma_start3A_282 = tpu.memref_squeeze %dma_start3A_281 : memref<1x256xi32, #tpu.memory_space<vmem>> -> memref<256xi32, #tpu.memory_space<vmem>>
      %dma_start3A_283 = arith.constant 0 : i32
      %dma_start3A_284 = tpu.memref_slice %arg5[%arg0, %add3A_112, %dma_start3A_283] : memref<2x64x256xi32, #tpu.memory_space<hbm>> -> memref<1x1x256xi32, #tpu.memory_space<hbm>>
      %dma_start3A_285 = tpu.memref_squeeze %dma_start3A_284 : memref<1x1x256xi32, #tpu.memory_space<hbm>> -> memref<256xi32, #tpu.memory_space<hbm>>
      %dma_start3A_286 = arith.constant 0 : i32
      %dma_start3A_287 = tpu.memref_slice %arg14[%run_scoped3A_113, %dma_start3A_286] : memref<2x256xi32, #tpu.memory_space<vmem>> -> memref<1x256xi32, #tpu.memory_space<vmem>>
      %dma_start3A_288 = tpu.memref_squeeze %dma_start3A_287 : memref<1x256xi32, #tpu.memory_space<vmem>> -> memref<256xi32, #tpu.memory_space<vmem>>
      %dma_start3A_289 = arith.constant 0 : i32
      %dma_start3A_290 = tpu.memref_slice %arg5[%arg0, %add3A_112, %dma_start3A_289] : memref<2x64x256xi32, #tpu.memory_space<hbm>> -> memref<1x1x256xi32, #tpu.memory_space<hbm>>
      %dma_start3A_291 = tpu.memref_squeeze %dma_start3A_290 : memref<1x1x256xi32, #tpu.memory_space<hbm>> -> memref<256xi32, #tpu.memory_space<hbm>>
      tpu.enqueue_dma source(%dma_start3A_291 : memref<256xi32, #tpu.memory_space<hbm>>) target(%dma_start3A_288 : memref<256xi32, #tpu.memory_space<vmem>>) target_semaphore(%run_scoped3A_279 : memref<!tpu.dma_semaphore, #tpu.memory_space<semaphore_mem>>)
      %dma_wait3A_292 = arith.constant 0 : i32
      %dma_wait3A_293 = tpu.memref_slice %arg14[%run_scoped3A_113, %dma_wait3A_292] : memref<2x256xi32, #tpu.memory_space<vmem>> -> memref<1x256xi32, #tpu.memory_space<vmem>>
      %dma_wait3A_294 = tpu.memref_squeeze %dma_wait3A_293 : memref<1x256xi32, #tpu.memory_space<vmem>> -> memref<256xi32, #tpu.memory_space<vmem>>
      %dma_wait3A_295 = arith.constant 0 : i32
      %dma_wait3A_296 = tpu.memref_slice %arg5[%arg0, %add3A_112, %dma_wait3A_295] : memref<2x64x256xi32, #tpu.memory_space<hbm>> -> memref<1x1x256xi32, #tpu.memory_space<hbm>>
      %dma_wait3A_297 = tpu.memref_squeeze %dma_wait3A_296 : memref<1x1x256xi32, #tpu.memory_space<hbm>> -> memref<256xi32, #tpu.memory_space<hbm>>
      %dma_wait3A_298 = arith.constant 0 : i32
      %dma_wait3A_299 = tpu.memref_slice %arg14[%run_scoped3A_113, %dma_wait3A_298] : memref<2x256xi32, #tpu.memory_space<vmem>> -> memref<1x256xi32, #tpu.memory_space<vmem>>
      %dma_wait3A_300 = tpu.memref_squeeze %dma_wait3A_299 : memref<1x256xi32, #tpu.memory_space<vmem>> -> memref<256xi32, #tpu.memory_space<vmem>>
      %dma_wait3A_301 = arith.constant 0 : i32
      %dma_wait3A_302 = tpu.memref_slice %arg5[%arg0, %add3A_112, %dma_wait3A_301] : memref<2x64x256xi32, #tpu.memory_space<hbm>> -> memref<1x1x256xi32, #tpu.memory_space<hbm>>
      %dma_wait3A_303 = tpu.memref_squeeze %dma_wait3A_302 : memref<1x1x256xi32, #tpu.memory_space<hbm>> -> memref<256xi32, #tpu.memory_space<hbm>>
      tpu.wait_dma2 semaphore(%run_scoped3A_279 : memref<!tpu.dma_semaphore, #tpu.memory_space<semaphore_mem>>) src(%dma_wait3A_303 : memref<256xi32, #tpu.memory_space<hbm>>) dst(%dma_wait3A_300 : memref<256xi32, #tpu.memory_space<vmem>>)
      tpu.yield
    }) : () -> ()
    %dma_start3A_114 = arith.constant 0 : i32
    %dma_start3A_115 = arith.constant 0 : i32
    %dma_start3A_116 = tpu.memref_slice %arg14[%dma_start3A_114, %dma_start3A_115] : memref<2x256xi32, #tpu.memory_space<vmem>> -> memref<1x256xi32, #tpu.memory_space<vmem>>
    %dma_start3A_117 = tpu.memref_squeeze %dma_start3A_116 : memref<1x256xi32, #tpu.memory_space<vmem>> -> memref<256xi32, #tpu.memory_space<vmem>>
    %dma_start3A_118 = arith.constant 0 : i32
    %dma_start3A_119 = arith.constant 0 : i32
    %dma_start3A_120 = tpu.memref_slice %arg12[%dma_start3A_118, %dma_start3A_119] : memref<10240x128xf32, #tpu.memory_space<vmem_shared>> -> memref<10240x128xf32, #tpu.memory_space<vmem_shared>>
    tpu.enqueue_indirect_dma source(%dma_start3A_120 : memref<10240x128xf32, #tpu.memory_space<vmem_shared>>) target(%arg15 : memref<256x128xf32, #tpu.memory_space<vmem>>) offsets(%dma_start3A_117 : memref<256xi32, #tpu.memory_space<vmem>>) semaphore(%arg17 : memref<!tpu.dma_semaphore, #tpu.memory_space<semaphore_mem>>)
    %dma_wait3A_121 = arith.constant 0 : i32
    %dma_wait3A_122 = arith.constant 0 : i32
    %dma_wait3A_123 = tpu.memref_slice %arg14[%dma_wait3A_121, %dma_wait3A_122] : memref<2x256xi32, #tpu.memory_space<vmem>> -> memref<1x256xi32, #tpu.memory_space<vmem>>
    %dma_wait3A_124 = tpu.memref_squeeze %dma_wait3A_123 : memref<1x256xi32, #tpu.memory_space<vmem>> -> memref<256xi32, #tpu.memory_space<vmem>>
    %dma_wait3A_125 = arith.constant 0 : i32
    %dma_wait3A_126 = arith.constant 0 : i32
    %dma_wait3A_127 = tpu.memref_slice %arg12[%dma_wait3A_125, %dma_wait3A_126] : memref<10240x128xf32, #tpu.memory_space<vmem_shared>> -> memref<10240x128xf32, #tpu.memory_space<vmem_shared>>
    tpu.wait_indirect_dma semaphore(%arg17 : memref<!tpu.dma_semaphore, #tpu.memory_space<semaphore_mem>>) src(%dma_wait3A_127 : memref<10240x128xf32, #tpu.memory_space<vmem_shared>>) dst(%arg15 : memref<256x128xf32, #tpu.memory_space<vmem>>)
    %add3A_128 = arith.constant 0 : i32
    %add3A_129 = arith.addi %mul3A_28, %add3A_128 : i32
    %mul3A_130 = arith.constant 256 : i32
    %mul3A_131 = arith.muli %add3A_129, %mul3A_130 : i32
    "tpu.region"() ({
      %run_scoped3A_279 = tpu.sem_alloc : memref<!tpu.dma_semaphore, #tpu.memory_space<semaphore_mem>>
      %dma_start3A_280 = arith.constant 0 : i32
      %dma_start3A_281 = tpu.memref_slice %arg9[%arg0, %mul3A_131, %dma_start3A_280] : memref<2x16384x128xf32, #tpu.memory_space<hbm>> -> memref<1x256x128xf32, #tpu.memory_space<hbm>>
      %dma_start3A_282 = tpu.memref_squeeze %dma_start3A_281 : memref<1x256x128xf32, #tpu.memory_space<hbm>> -> memref<256x128xf32, #tpu.memory_space<hbm>>
      %dma_start3A_283 = arith.constant 0 : i32
      %dma_start3A_284 = tpu.memref_slice %arg9[%arg0, %mul3A_131, %dma_start3A_283] : memref<2x16384x128xf32, #tpu.memory_space<hbm>> -> memref<1x256x128xf32, #tpu.memory_space<hbm>>
      %dma_start3A_285 = tpu.memref_squeeze %dma_start3A_284 : memref<1x256x128xf32, #tpu.memory_space<hbm>> -> memref<256x128xf32, #tpu.memory_space<hbm>>
      tpu.enqueue_dma source(%arg15 : memref<256x128xf32, #tpu.memory_space<vmem>>) target(%dma_start3A_285 : memref<256x128xf32, #tpu.memory_space<hbm>>) target_semaphore(%run_scoped3A_279 : memref<!tpu.dma_semaphore, #tpu.memory_space<semaphore_mem>>)
      %dma_wait3A_286 = arith.constant 0 : i32
      %dma_wait3A_287 = tpu.memref_slice %arg9[%arg0, %mul3A_131, %dma_wait3A_286] : memref<2x16384x128xf32, #tpu.memory_space<hbm>> -> memref<1x256x128xf32, #tpu.memory_space<hbm>>
      %dma_wait3A_288 = tpu.memref_squeeze %dma_wait3A_287 : memref<1x256x128xf32, #tpu.memory_space<hbm>> -> memref<256x128xf32, #tpu.memory_space<hbm>>
      %dma_wait3A_289 = arith.constant 0 : i32
      %dma_wait3A_290 = tpu.memref_slice %arg9[%arg0, %mul3A_131, %dma_wait3A_289] : memref<2x16384x128xf32, #tpu.memory_space<hbm>> -> memref<1x256x128xf32, #tpu.memory_space<hbm>>
      %dma_wait3A_291 = tpu.memref_squeeze %dma_wait3A_290 : memref<1x256x128xf32, #tpu.memory_space<hbm>> -> memref<256x128xf32, #tpu.memory_space<hbm>>
      tpu.wait_dma2 semaphore(%run_scoped3A_279 : memref<!tpu.dma_semaphore, #tpu.memory_space<semaphore_mem>>) src(%arg15 : memref<256x128xf32, #tpu.memory_space<vmem>>) dst(%dma_wait3A_291 : memref<256x128xf32, #tpu.memory_space<hbm>>)
      tpu.yield
    }) : () -> ()
    %add3A_132 = arith.constant 1 : i32
    %add3A_133 = arith.addi %mul3A_28, %add3A_132 : i32
    %run_scoped3A_134 = arith.constant 0 : i32
    "tpu.region"() ({
      %run_scoped3A_279 = tpu.sem_alloc : memref<!tpu.dma_semaphore, #tpu.memory_space<semaphore_mem>>
      %dma_start3A_280 = arith.constant 0 : i32
      %dma_start3A_281 = tpu.memref_slice %arg14[%run_scoped3A_134, %dma_start3A_280] : memref<2x256xi32, #tpu.memory_space<vmem>> -> memref<1x256xi32, #tpu.memory_space<vmem>>
      %dma_start3A_282 = tpu.memref_squeeze %dma_start3A_281 : memref<1x256xi32, #tpu.memory_space<vmem>> -> memref<256xi32, #tpu.memory_space<vmem>>
      %dma_start3A_283 = arith.constant 0 : i32
      %dma_start3A_284 = tpu.memref_slice %arg5[%arg0, %add3A_133, %dma_start3A_283] : memref<2x64x256xi32, #tpu.memory_space<hbm>> -> memref<1x1x256xi32, #tpu.memory_space<hbm>>
      %dma_start3A_285 = tpu.memref_squeeze %dma_start3A_284 : memref<1x1x256xi32, #tpu.memory_space<hbm>> -> memref<256xi32, #tpu.memory_space<hbm>>
      %dma_start3A_286 = arith.constant 0 : i32
      %dma_start3A_287 = tpu.memref_slice %arg14[%run_scoped3A_134, %dma_start3A_286] : memref<2x256xi32, #tpu.memory_space<vmem>> -> memref<1x256xi32, #tpu.memory_space<vmem>>
      %dma_start3A_288 = tpu.memref_squeeze %dma_start3A_287 : memref<1x256xi32, #tpu.memory_space<vmem>> -> memref<256xi32, #tpu.memory_space<vmem>>
      %dma_start3A_289 = arith.constant 0 : i32
      %dma_start3A_290 = tpu.memref_slice %arg5[%arg0, %add3A_133, %dma_start3A_289] : memref<2x64x256xi32, #tpu.memory_space<hbm>> -> memref<1x1x256xi32, #tpu.memory_space<hbm>>
      %dma_start3A_291 = tpu.memref_squeeze %dma_start3A_290 : memref<1x1x256xi32, #tpu.memory_space<hbm>> -> memref<256xi32, #tpu.memory_space<hbm>>
      tpu.enqueue_dma source(%dma_start3A_291 : memref<256xi32, #tpu.memory_space<hbm>>) target(%dma_start3A_288 : memref<256xi32, #tpu.memory_space<vmem>>) target_semaphore(%run_scoped3A_279 : memref<!tpu.dma_semaphore, #tpu.memory_space<semaphore_mem>>)
      %dma_wait3A_292 = arith.constant 0 : i32
      %dma_wait3A_293 = tpu.memref_slice %arg14[%run_scoped3A_134, %dma_wait3A_292] : memref<2x256xi32, #tpu.memory_space<vmem>> -> memref<1x256xi32, #tpu.memory_space<vmem>>
      %dma_wait3A_294 = tpu.memref_squeeze %dma_wait3A_293 : memref<1x256xi32, #tpu.memory_space<vmem>> -> memref<256xi32, #tpu.memory_space<vmem>>
      %dma_wait3A_295 = arith.constant 0 : i32
      %dma_wait3A_296 = tpu.memref_slice %arg5[%arg0, %add3A_133, %dma_wait3A_295] : memref<2x64x256xi32, #tpu.memory_space<hbm>> -> memref<1x1x256xi32, #tpu.memory_space<hbm>>
      %dma_wait3A_297 = tpu.memref_squeeze %dma_wait3A_296 : memref<1x1x256xi32, #tpu.memory_space<hbm>> -> memref<256xi32, #tpu.memory_space<hbm>>
      %dma_wait3A_298 = arith.constant 0 : i32
      %dma_wait3A_299 = tpu.memref_slice %arg14[%run_scoped3A_134, %dma_wait3A_298] : memref<2x256xi32, #tpu.memory_space<vmem>> -> memref<1x256xi32, #tpu.memory_space<vmem>>
      %dma_wait3A_300 = tpu.memref_squeeze %dma_wait3A_299 : memref<1x256xi32, #tpu.memory_space<vmem>> -> memref<256xi32, #tpu.memory_space<vmem>>
      %dma_wait3A_301 = arith.constant 0 : i32
      %dma_wait3A_302 = tpu.memref_slice %arg5[%arg0, %add3A_133, %dma_wait3A_301] : memref<2x64x256xi32, #tpu.memory_space<hbm>> -> memref<1x1x256xi32, #tpu.memory_space<hbm>>
      %dma_wait3A_303 = tpu.memref_squeeze %dma_wait3A_302 : memref<1x1x256xi32, #tpu.memory_space<hbm>> -> memref<256xi32, #tpu.memory_space<hbm>>
      tpu.wait_dma2 semaphore(%run_scoped3A_279 : memref<!tpu.dma_semaphore, #tpu.memory_space<semaphore_mem>>) src(%dma_wait3A_303 : memref<256xi32, #tpu.memory_space<hbm>>) dst(%dma_wait3A_300 : memref<256xi32, #tpu.memory_space<vmem>>)
      tpu.yield
    }) : () -> ()
    %dma_start3A_135 = arith.constant 0 : i32
    %dma_start3A_136 = arith.constant 0 : i32
    %dma_start3A_137 = tpu.memref_slice %arg14[%dma_start3A_135, %dma_start3A_136] : memref<2x256xi32, #tpu.memory_space<vmem>> -> memref<1x256xi32, #tpu.memory_space<vmem>>
    %dma_start3A_138 = tpu.memref_squeeze %dma_start3A_137 : memref<1x256xi32, #tpu.memory_space<vmem>> -> memref<256xi32, #tpu.memory_space<vmem>>
    %dma_start3A_139 = arith.constant 0 : i32
    %dma_start3A_140 = arith.constant 0 : i32
    %dma_start3A_141 = tpu.memref_slice %arg12[%dma_start3A_139, %dma_start3A_140] : memref<10240x128xf32, #tpu.memory_space<vmem_shared>> -> memref<10240x128xf32, #tpu.memory_space<vmem_shared>>
    tpu.enqueue_indirect_dma source(%dma_start3A_141 : memref<10240x128xf32, #tpu.memory_space<vmem_shared>>) target(%arg15 : memref<256x128xf32, #tpu.memory_space<vmem>>) offsets(%dma_start3A_138 : memref<256xi32, #tpu.memory_space<vmem>>) semaphore(%arg17 : memref<!tpu.dma_semaphore, #tpu.memory_space<semaphore_mem>>)
    %dma_wait3A_142 = arith.constant 0 : i32
    %dma_wait3A_143 = arith.constant 0 : i32
    %dma_wait3A_144 = tpu.memref_slice %arg14[%dma_wait3A_142, %dma_wait3A_143] : memref<2x256xi32, #tpu.memory_space<vmem>> -> memref<1x256xi32, #tpu.memory_space<vmem>>
    %dma_wait3A_145 = tpu.memref_squeeze %dma_wait3A_144 : memref<1x256xi32, #tpu.memory_space<vmem>> -> memref<256xi32, #tpu.memory_space<vmem>>
    %dma_wait3A_146 = arith.constant 0 : i32
    %dma_wait3A_147 = arith.constant 0 : i32
    %dma_wait3A_148 = tpu.memref_slice %arg12[%dma_wait3A_146, %dma_wait3A_147] : memref<10240x128xf32, #tpu.memory_space<vmem_shared>> -> memref<10240x128xf32, #tpu.memory_space<vmem_shared>>
    tpu.wait_indirect_dma semaphore(%arg17 : memref<!tpu.dma_semaphore, #tpu.memory_space<semaphore_mem>>) src(%dma_wait3A_148 : memref<10240x128xf32, #tpu.memory_space<vmem_shared>>) dst(%arg15 : memref<256x128xf32, #tpu.memory_space<vmem>>)
    %add3A_149 = arith.constant 1 : i32
    %add3A_150 = arith.addi %mul3A_28, %add3A_149 : i32
    %mul3A_151 = arith.constant 256 : i32
    %mul3A_152 = arith.muli %add3A_150, %mul3A_151 : i32
    "tpu.region"() ({
      %run_scoped3A_279 = tpu.sem_alloc : memref<!tpu.dma_semaphore, #tpu.memory_space<semaphore_mem>>
      %dma_start3A_280 = arith.constant 0 : i32
      %dma_start3A_281 = tpu.memref_slice %arg9[%arg0, %mul3A_152, %dma_start3A_280] : memref<2x16384x128xf32, #tpu.memory_space<hbm>> -> memref<1x256x128xf32, #tpu.memory_space<hbm>>
      %dma_start3A_282 = tpu.memref_squeeze %dma_start3A_281 : memref<1x256x128xf32, #tpu.memory_space<hbm>> -> memref<256x128xf32, #tpu.memory_space<hbm>>
      %dma_start3A_283 = arith.constant 0 : i32
      %dma_start3A_284 = tpu.memref_slice %arg9[%arg0, %mul3A_152, %dma_start3A_283] : memref<2x16384x128xf32, #tpu.memory_space<hbm>> -> memref<1x256x128xf32, #tpu.memory_space<hbm>>
      %dma_start3A_285 = tpu.memref_squeeze %dma_start3A_284 : memref<1x256x128xf32, #tpu.memory_space<hbm>> -> memref<256x128xf32, #tpu.memory_space<hbm>>
      tpu.enqueue_dma source(%arg15 : memref<256x128xf32, #tpu.memory_space<vmem>>) target(%dma_start3A_285 : memref<256x128xf32, #tpu.memory_space<hbm>>) target_semaphore(%run_scoped3A_279 : memref<!tpu.dma_semaphore, #tpu.memory_space<semaphore_mem>>)
      %dma_wait3A_286 = arith.constant 0 : i32
      %dma_wait3A_287 = tpu.memref_slice %arg9[%arg0, %mul3A_152, %dma_wait3A_286] : memref<2x16384x128xf32, #tpu.memory_space<hbm>> -> memref<1x256x128xf32, #tpu.memory_space<hbm>>
      %dma_wait3A_288 = tpu.memref_squeeze %dma_wait3A_287 : memref<1x256x128xf32, #tpu.memory_space<hbm>> -> memref<256x128xf32, #tpu.memory_space<hbm>>
      %dma_wait3A_289 = arith.constant 0 : i32
      %dma_wait3A_290 = tpu.memref_slice %arg9[%arg0, %mul3A_152, %dma_wait3A_289] : memref<2x16384x128xf32, #tpu.memory_space<hbm>> -> memref<1x256x128xf32, #tpu.memory_space<hbm>>
      %dma_wait3A_291 = tpu.memref_squeeze %dma_wait3A_290 : memref<1x256x128xf32, #tpu.memory_space<hbm>> -> memref<256x128xf32, #tpu.memory_space<hbm>>
      tpu.wait_dma2 semaphore(%run_scoped3A_279 : memref<!tpu.dma_semaphore, #tpu.memory_space<semaphore_mem>>) src(%arg15 : memref<256x128xf32, #tpu.memory_space<vmem>>) dst(%dma_wait3A_291 : memref<256x128xf32, #tpu.memory_space<hbm>>)
      tpu.yield
    }) : () -> ()
    %add3A_153 = arith.constant 2 : i32
    %add3A_154 = arith.addi %mul3A_28, %add3A_153 : i32
    %run_scoped3A_155 = arith.constant 0 : i32
    "tpu.region"() ({
      %run_scoped3A_279 = tpu.sem_alloc : memref<!tpu.dma_semaphore, #tpu.memory_space<semaphore_mem>>
      %dma_start3A_280 = arith.constant 0 : i32
      %dma_start3A_281 = tpu.memref_slice %arg14[%run_scoped3A_155, %dma_start3A_280] : memref<2x256xi32, #tpu.memory_space<vmem>> -> memref<1x256xi32, #tpu.memory_space<vmem>>
      %dma_start3A_282 = tpu.memref_squeeze %dma_start3A_281 : memref<1x256xi32, #tpu.memory_space<vmem>> -> memref<256xi32, #tpu.memory_space<vmem>>
      %dma_start3A_283 = arith.constant 0 : i32
      %dma_start3A_284 = tpu.memref_slice %arg5[%arg0, %add3A_154, %dma_start3A_283] : memref<2x64x256xi32, #tpu.memory_space<hbm>> -> memref<1x1x256xi32, #tpu.memory_space<hbm>>
      %dma_start3A_285 = tpu.memref_squeeze %dma_start3A_284 : memref<1x1x256xi32, #tpu.memory_space<hbm>> -> memref<256xi32, #tpu.memory_space<hbm>>
      %dma_start3A_286 = arith.constant 0 : i32
      %dma_start3A_287 = tpu.memref_slice %arg14[%run_scoped3A_155, %dma_start3A_286] : memref<2x256xi32, #tpu.memory_space<vmem>> -> memref<1x256xi32, #tpu.memory_space<vmem>>
      %dma_start3A_288 = tpu.memref_squeeze %dma_start3A_287 : memref<1x256xi32, #tpu.memory_space<vmem>> -> memref<256xi32, #tpu.memory_space<vmem>>
      %dma_start3A_289 = arith.constant 0 : i32
      %dma_start3A_290 = tpu.memref_slice %arg5[%arg0, %add3A_154, %dma_start3A_289] : memref<2x64x256xi32, #tpu.memory_space<hbm>> -> memref<1x1x256xi32, #tpu.memory_space<hbm>>
      %dma_start3A_291 = tpu.memref_squeeze %dma_start3A_290 : memref<1x1x256xi32, #tpu.memory_space<hbm>> -> memref<256xi32, #tpu.memory_space<hbm>>
      tpu.enqueue_dma source(%dma_start3A_291 : memref<256xi32, #tpu.memory_space<hbm>>) target(%dma_start3A_288 : memref<256xi32, #tpu.memory_space<vmem>>) target_semaphore(%run_scoped3A_279 : memref<!tpu.dma_semaphore, #tpu.memory_space<semaphore_mem>>)
      %dma_wait3A_292 = arith.constant 0 : i32
      %dma_wait3A_293 = tpu.memref_slice %arg14[%run_scoped3A_155, %dma_wait3A_292] : memref<2x256xi32, #tpu.memory_space<vmem>> -> memref<1x256xi32, #tpu.memory_space<vmem>>
      %dma_wait3A_294 = tpu.memref_squeeze %dma_wait3A_293 : memref<1x256xi32, #tpu.memory_space<vmem>> -> memref<256xi32, #tpu.memory_space<vmem>>
      %dma_wait3A_295 = arith.constant 0 : i32
      %dma_wait3A_296 = tpu.memref_slice %arg5[%arg0, %add3A_154, %dma_wait3A_295] : memref<2x64x256xi32, #tpu.memory_space<hbm>> -> memref<1x1x256xi32, #tpu.memory_space<hbm>>
      %dma_wait3A_297 = tpu.memref_squeeze %dma_wait3A_296 : memref<1x1x256xi32, #tpu.memory_space<hbm>> -> memref<256xi32, #tpu.memory_space<hbm>>
      %dma_wait3A_298 = arith.constant 0 : i32
      %dma_wait3A_299 = tpu.memref_slice %arg14[%run_scoped3A_155, %dma_wait3A_298] : memref<2x256xi32, #tpu.memory_space<vmem>> -> memref<1x256xi32, #tpu.memory_space<vmem>>
      %dma_wait3A_300 = tpu.memref_squeeze %dma_wait3A_299 : memref<1x256xi32, #tpu.memory_space<vmem>> -> memref<256xi32, #tpu.memory_space<vmem>>
      %dma_wait3A_301 = arith.constant 0 : i32
      %dma_wait3A_302 = tpu.memref_slice %arg5[%arg0, %add3A_154, %dma_wait3A_301] : memref<2x64x256xi32, #tpu.memory_space<hbm>> -> memref<1x1x256xi32, #tpu.memory_space<hbm>>
      %dma_wait3A_303 = tpu.memref_squeeze %dma_wait3A_302 : memref<1x1x256xi32, #tpu.memory_space<hbm>> -> memref<256xi32, #tpu.memory_space<hbm>>
      tpu.wait_dma2 semaphore(%run_scoped3A_279 : memref<!tpu.dma_semaphore, #tpu.memory_space<semaphore_mem>>) src(%dma_wait3A_303 : memref<256xi32, #tpu.memory_space<hbm>>) dst(%dma_wait3A_300 : memref<256xi32, #tpu.memory_space<vmem>>)
      tpu.yield
    }) : () -> ()
    %dma_start3A_156 = arith.constant 0 : i32
    %dma_start3A_157 = arith.constant 0 : i32
    %dma_start3A_158 = tpu.memref_slice %arg14[%dma_start3A_156, %dma_start3A_157] : memref<2x256xi32, #tpu.memory_space<vmem>> -> memref<1x256xi32, #tpu.memory_space<vmem>>
    %dma_start3A_159 = tpu.memref_squeeze %dma_start3A_158 : memref<1x256xi32, #tpu.memory_space<vmem>> -> memref<256xi32, #tpu.memory_space<vmem>>
    %dma_start3A_160 = arith.constant 0 : i32
    %dma_start3A_161 = arith.constant 0 : i32
    %dma_start3A_162 = tpu.memref_slice %arg12[%dma_start3A_160, %dma_start3A_161] : memref<10240x128xf32, #tpu.memory_space<vmem_shared>> -> memref<10240x128xf32, #tpu.memory_space<vmem_shared>>
    tpu.enqueue_indirect_dma source(%dma_start3A_162 : memref<10240x128xf32, #tpu.memory_space<vmem_shared>>) target(%arg15 : memref<256x128xf32, #tpu.memory_space<vmem>>) offsets(%dma_start3A_159 : memref<256xi32, #tpu.memory_space<vmem>>) semaphore(%arg17 : memref<!tpu.dma_semaphore, #tpu.memory_space<semaphore_mem>>)
    %dma_wait3A_163 = arith.constant 0 : i32
    %dma_wait3A_164 = arith.constant 0 : i32
    %dma_wait3A_165 = tpu.memref_slice %arg14[%dma_wait3A_163, %dma_wait3A_164] : memref<2x256xi32, #tpu.memory_space<vmem>> -> memref<1x256xi32, #tpu.memory_space<vmem>>
    %dma_wait3A_166 = tpu.memref_squeeze %dma_wait3A_165 : memref<1x256xi32, #tpu.memory_space<vmem>> -> memref<256xi32, #tpu.memory_space<vmem>>
    %dma_wait3A_167 = arith.constant 0 : i32
    %dma_wait3A_168 = arith.constant 0 : i32
    %dma_wait3A_169 = tpu.memref_slice %arg12[%dma_wait3A_167, %dma_wait3A_168] : memref<10240x128xf32, #tpu.memory_space<vmem_shared>> -> memref<10240x128xf32, #tpu.memory_space<vmem_shared>>
    tpu.wait_indirect_dma semaphore(%arg17 : memref<!tpu.dma_semaphore, #tpu.memory_space<semaphore_mem>>) src(%dma_wait3A_169 : memref<10240x128xf32, #tpu.memory_space<vmem_shared>>) dst(%arg15 : memref<256x128xf32, #tpu.memory_space<vmem>>)
    %add3A_170 = arith.constant 2 : i32
    %add3A_171 = arith.addi %mul3A_28, %add3A_170 : i32
    %mul3A_172 = arith.constant 256 : i32
    %mul3A_173 = arith.muli %add3A_171, %mul3A_172 : i32
    "tpu.region"() ({
      %run_scoped3A_279 = tpu.sem_alloc : memref<!tpu.dma_semaphore, #tpu.memory_space<semaphore_mem>>
      %dma_start3A_280 = arith.constant 0 : i32
      %dma_start3A_281 = tpu.memref_slice %arg9[%arg0, %mul3A_173, %dma_start3A_280] : memref<2x16384x128xf32, #tpu.memory_space<hbm>> -> memref<1x256x128xf32, #tpu.memory_space<hbm>>
      %dma_start3A_282 = tpu.memref_squeeze %dma_start3A_281 : memref<1x256x128xf32, #tpu.memory_space<hbm>> -> memref<256x128xf32, #tpu.memory_space<hbm>>
      %dma_start3A_283 = arith.constant 0 : i32
      %dma_start3A_284 = tpu.memref_slice %arg9[%arg0, %mul3A_173, %dma_start3A_283] : memref<2x16384x128xf32, #tpu.memory_space<hbm>> -> memref<1x256x128xf32, #tpu.memory_space<hbm>>
      %dma_start3A_285 = tpu.memref_squeeze %dma_start3A_284 : memref<1x256x128xf32, #tpu.memory_space<hbm>> -> memref<256x128xf32, #tpu.memory_space<hbm>>
      tpu.enqueue_dma source(%arg15 : memref<256x128xf32, #tpu.memory_space<vmem>>) target(%dma_start3A_285 : memref<256x128xf32, #tpu.memory_space<hbm>>) target_semaphore(%run_scoped3A_279 : memref<!tpu.dma_semaphore, #tpu.memory_space<semaphore_mem>>)
      %dma_wait3A_286 = arith.constant 0 : i32
      %dma_wait3A_287 = tpu.memref_slice %arg9[%arg0, %mul3A_173, %dma_wait3A_286] : memref<2x16384x128xf32, #tpu.memory_space<hbm>> -> memref<1x256x128xf32, #tpu.memory_space<hbm>>
      %dma_wait3A_288 = tpu.memref_squeeze %dma_wait3A_287 : memref<1x256x128xf32, #tpu.memory_space<hbm>> -> memref<256x128xf32, #tpu.memory_space<hbm>>
      %dma_wait3A_289 = arith.constant 0 : i32
      %dma_wait3A_290 = tpu.memref_slice %arg9[%arg0, %mul3A_173, %dma_wait3A_289] : memref<2x16384x128xf32, #tpu.memory_space<hbm>> -> memref<1x256x128xf32, #tpu.memory_space<hbm>>
      %dma_wait3A_291 = tpu.memref_squeeze %dma_wait3A_290 : memref<1x256x128xf32, #tpu.memory_space<hbm>> -> memref<256x128xf32, #tpu.memory_space<hbm>>
      tpu.wait_dma2 semaphore(%run_scoped3A_279 : memref<!tpu.dma_semaphore, #tpu.memory_space<semaphore_mem>>) src(%arg15 : memref<256x128xf32, #tpu.memory_space<vmem>>) dst(%dma_wait3A_291 : memref<256x128xf32, #tpu.memory_space<hbm>>)
      tpu.yield
    }) : () -> ()
    %add3A_174 = arith.constant 3 : i32
    %add3A_175 = arith.addi %mul3A_28, %add3A_174 : i32
    %run_scoped3A_176 = arith.constant 0 : i32
    "tpu.region"() ({
      %run_scoped3A_279 = tpu.sem_alloc : memref<!tpu.dma_semaphore, #tpu.memory_space<semaphore_mem>>
      %dma_start3A_280 = arith.constant 0 : i32
      %dma_start3A_281 = tpu.memref_slice %arg14[%run_scoped3A_176, %dma_start3A_280] : memref<2x256xi32, #tpu.memory_space<vmem>> -> memref<1x256xi32, #tpu.memory_space<vmem>>
      %dma_start3A_282 = tpu.memref_squeeze %dma_start3A_281 : memref<1x256xi32, #tpu.memory_space<vmem>> -> memref<256xi32, #tpu.memory_space<vmem>>
      %dma_start3A_283 = arith.constant 0 : i32
      %dma_start3A_284 = tpu.memref_slice %arg5[%arg0, %add3A_175, %dma_start3A_283] : memref<2x64x256xi32, #tpu.memory_space<hbm>> -> memref<1x1x256xi32, #tpu.memory_space<hbm>>
      %dma_start3A_285 = tpu.memref_squeeze %dma_start3A_284 : memref<1x1x256xi32, #tpu.memory_space<hbm>> -> memref<256xi32, #tpu.memory_space<hbm>>
      %dma_start3A_286 = arith.constant 0 : i32
      %dma_start3A_287 = tpu.memref_slice %arg14[%run_scoped3A_176, %dma_start3A_286] : memref<2x256xi32, #tpu.memory_space<vmem>> -> memref<1x256xi32, #tpu.memory_space<vmem>>
      %dma_start3A_288 = tpu.memref_squeeze %dma_start3A_287 : memref<1x256xi32, #tpu.memory_space<vmem>> -> memref<256xi32, #tpu.memory_space<vmem>>
      %dma_start3A_289 = arith.constant 0 : i32
      %dma_start3A_290 = tpu.memref_slice %arg5[%arg0, %add3A_175, %dma_start3A_289] : memref<2x64x256xi32, #tpu.memory_space<hbm>> -> memref<1x1x256xi32, #tpu.memory_space<hbm>>
      %dma_start3A_291 = tpu.memref_squeeze %dma_start3A_290 : memref<1x1x256xi32, #tpu.memory_space<hbm>> -> memref<256xi32, #tpu.memory_space<hbm>>
      tpu.enqueue_dma source(%dma_start3A_291 : memref<256xi32, #tpu.memory_space<hbm>>) target(%dma_start3A_288 : memref<256xi32, #tpu.memory_space<vmem>>) target_semaphore(%run_scoped3A_279 : memref<!tpu.dma_semaphore, #tpu.memory_space<semaphore_mem>>)
      %dma_wait3A_292 = arith.constant 0 : i32
      %dma_wait3A_293 = tpu.memref_slice %arg14[%run_scoped3A_176, %dma_wait3A_292] : memref<2x256xi32, #tpu.memory_space<vmem>> -> memref<1x256xi32, #tpu.memory_space<vmem>>
      %dma_wait3A_294 = tpu.memref_squeeze %dma_wait3A_293 : memref<1x256xi32, #tpu.memory_space<vmem>> -> memref<256xi32, #tpu.memory_space<vmem>>
      %dma_wait3A_295 = arith.constant 0 : i32
      %dma_wait3A_296 = tpu.memref_slice %arg5[%arg0, %add3A_175, %dma_wait3A_295] : memref<2x64x256xi32, #tpu.memory_space<hbm>> -> memref<1x1x256xi32, #tpu.memory_space<hbm>>
      %dma_wait3A_297 = tpu.memref_squeeze %dma_wait3A_296 : memref<1x1x256xi32, #tpu.memory_space<hbm>> -> memref<256xi32, #tpu.memory_space<hbm>>
      %dma_wait3A_298 = arith.constant 0 : i32
      %dma_wait3A_299 = tpu.memref_slice %arg14[%run_scoped3A_176, %dma_wait3A_298] : memref<2x256xi32, #tpu.memory_space<vmem>> -> memref<1x256xi32, #tpu.memory_space<vmem>>
      %dma_wait3A_300 = tpu.memref_squeeze %dma_wait3A_299 : memref<1x256xi32, #tpu.memory_space<vmem>> -> memref<256xi32, #tpu.memory_space<vmem>>
      %dma_wait3A_301 = arith.constant 0 : i32
      %dma_wait3A_302 = tpu.memref_slice %arg5[%arg0, %add3A_175, %dma_wait3A_301] : memref<2x64x256xi32, #tpu.memory_space<hbm>> -> memref<1x1x256xi32, #tpu.memory_space<hbm>>
      %dma_wait3A_303 = tpu.memref_squeeze %dma_wait3A_302 : memref<1x1x256xi32, #tpu.memory_space<hbm>> -> memref<256xi32, #tpu.memory_space<hbm>>
      tpu.wait_dma2 semaphore(%run_scoped3A_279 : memref<!tpu.dma_semaphore, #tpu.memory_space<semaphore_mem>>) src(%dma_wait3A_303 : memref<256xi32, #tpu.memory_space<hbm>>) dst(%dma_wait3A_300 : memref<256xi32, #tpu.memory_space<vmem>>)
      tpu.yield
    }) : () -> ()
    %dma_start3A_177 = arith.constant 0 : i32
    %dma_start3A_178 = arith.constant 0 : i32
    %dma_start3A_179 = tpu.memref_slice %arg14[%dma_start3A_177, %dma_start3A_178] : memref<2x256xi32, #tpu.memory_space<vmem>> -> memref<1x256xi32, #tpu.memory_space<vmem>>
    %dma_start3A_180 = tpu.memref_squeeze %dma_start3A_179 : memref<1x256xi32, #tpu.memory_space<vmem>> -> memref<256xi32, #tpu.memory_space<vmem>>
    %dma_start3A_181 = arith.constant 0 : i32
    %dma_start3A_182 = arith.constant 0 : i32
    %dma_start3A_183 = tpu.memref_slice %arg12[%dma_start3A_181, %dma_start3A_182] : memref<10240x128xf32, #tpu.memory_space<vmem_shared>> -> memref<10240x128xf32, #tpu.memory_space<vmem_shared>>
    tpu.enqueue_indirect_dma source(%dma_start3A_183 : memref<10240x128xf32, #tpu.memory_space<vmem_shared>>) target(%arg15 : memref<256x128xf32, #tpu.memory_space<vmem>>) offsets(%dma_start3A_180 : memref<256xi32, #tpu.memory_space<vmem>>) semaphore(%arg17 : memref<!tpu.dma_semaphore, #tpu.memory_space<semaphore_mem>>)
    %dma_wait3A_184 = arith.constant 0 : i32
    %dma_wait3A_185 = arith.constant 0 : i32
    %dma_wait3A_186 = tpu.memref_slice %arg14[%dma_wait3A_184, %dma_wait3A_185] : memref<2x256xi32, #tpu.memory_space<vmem>> -> memref<1x256xi32, #tpu.memory_space<vmem>>
    %dma_wait3A_187 = tpu.memref_squeeze %dma_wait3A_186 : memref<1x256xi32, #tpu.memory_space<vmem>> -> memref<256xi32, #tpu.memory_space<vmem>>
    %dma_wait3A_188 = arith.constant 0 : i32
    %dma_wait3A_189 = arith.constant 0 : i32
    %dma_wait3A_190 = tpu.memref_slice %arg12[%dma_wait3A_188, %dma_wait3A_189] : memref<10240x128xf32, #tpu.memory_space<vmem_shared>> -> memref<10240x128xf32, #tpu.memory_space<vmem_shared>>
    tpu.wait_indirect_dma semaphore(%arg17 : memref<!tpu.dma_semaphore, #tpu.memory_space<semaphore_mem>>) src(%dma_wait3A_190 : memref<10240x128xf32, #tpu.memory_space<vmem_shared>>) dst(%arg15 : memref<256x128xf32, #tpu.memory_space<vmem>>)
    %add3A_191 = arith.constant 3 : i32
    %add3A_192 = arith.addi %mul3A_28, %add3A_191 : i32
    %mul3A_193 = arith.constant 256 : i32
    %mul3A_194 = arith.muli %add3A_192, %mul3A_193 : i32
    "tpu.region"() ({
      %run_scoped3A_279 = tpu.sem_alloc : memref<!tpu.dma_semaphore, #tpu.memory_space<semaphore_mem>>
      %dma_start3A_280 = arith.constant 0 : i32
      %dma_start3A_281 = tpu.memref_slice %arg9[%arg0, %mul3A_194, %dma_start3A_280] : memref<2x16384x128xf32, #tpu.memory_space<hbm>> -> memref<1x256x128xf32, #tpu.memory_space<hbm>>
      %dma_start3A_282 = tpu.memref_squeeze %dma_start3A_281 : memref<1x256x128xf32, #tpu.memory_space<hbm>> -> memref<256x128xf32, #tpu.memory_space<hbm>>
      %dma_start3A_283 = arith.constant 0 : i32
      %dma_start3A_284 = tpu.memref_slice %arg9[%arg0, %mul3A_194, %dma_start3A_283] : memref<2x16384x128xf32, #tpu.memory_space<hbm>> -> memref<1x256x128xf32, #tpu.memory_space<hbm>>
      %dma_start3A_285 = tpu.memref_squeeze %dma_start3A_284 : memref<1x256x128xf32, #tpu.memory_space<hbm>> -> memref<256x128xf32, #tpu.memory_space<hbm>>
      tpu.enqueue_dma source(%arg15 : memref<256x128xf32, #tpu.memory_space<vmem>>) target(%dma_start3A_285 : memref<256x128xf32, #tpu.memory_space<hbm>>) target_semaphore(%run_scoped3A_279 : memref<!tpu.dma_semaphore, #tpu.memory_space<semaphore_mem>>)
      %dma_wait3A_286 = arith.constant 0 : i32
      %dma_wait3A_287 = tpu.memref_slice %arg9[%arg0, %mul3A_194, %dma_wait3A_286] : memref<2x16384x128xf32, #tpu.memory_space<hbm>> -> memref<1x256x128xf32, #tpu.memory_space<hbm>>
      %dma_wait3A_288 = tpu.memref_squeeze %dma_wait3A_287 : memref<1x256x128xf32, #tpu.memory_space<hbm>> -> memref<256x128xf32, #tpu.memory_space<hbm>>
      %dma_wait3A_289 = arith.constant 0 : i32
      %dma_wait3A_290 = tpu.memref_slice %arg9[%arg0, %mul3A_194, %dma_wait3A_289] : memref<2x16384x128xf32, #tpu.memory_space<hbm>> -> memref<1x256x128xf32, #tpu.memory_space<hbm>>
      %dma_wait3A_291 = tpu.memref_squeeze %dma_wait3A_290 : memref<1x256x128xf32, #tpu.memory_space<hbm>> -> memref<256x128xf32, #tpu.memory_space<hbm>>
      tpu.wait_dma2 semaphore(%run_scoped3A_279 : memref<!tpu.dma_semaphore, #tpu.memory_space<semaphore_mem>>) src(%arg15 : memref<256x128xf32, #tpu.memory_space<vmem>>) dst(%dma_wait3A_291 : memref<256x128xf32, #tpu.memory_space<hbm>>)
      tpu.yield
    }) : () -> ()
    %add3A_195 = arith.constant 0 : i32
    %add3A_196 = arith.addi %mul3A_28, %add3A_195 : i32
    %run_scoped3A_197 = arith.constant 0 : i32
    "tpu.region"() ({
      %run_scoped3A_279 = tpu.sem_alloc : memref<!tpu.dma_semaphore, #tpu.memory_space<semaphore_mem>>
      %dma_start3A_280 = arith.constant 0 : i32
      %dma_start3A_281 = tpu.memref_slice %arg14[%run_scoped3A_197, %dma_start3A_280] : memref<2x256xi32, #tpu.memory_space<vmem>> -> memref<1x256xi32, #tpu.memory_space<vmem>>
      %dma_start3A_282 = tpu.memref_squeeze %dma_start3A_281 : memref<1x256xi32, #tpu.memory_space<vmem>> -> memref<256xi32, #tpu.memory_space<vmem>>
      %dma_start3A_283 = arith.constant 0 : i32
      %dma_start3A_284 = tpu.memref_slice %arg5[%arg0, %add3A_196, %dma_start3A_283] : memref<2x64x256xi32, #tpu.memory_space<hbm>> -> memref<1x1x256xi32, #tpu.memory_space<hbm>>
      %dma_start3A_285 = tpu.memref_squeeze %dma_start3A_284 : memref<1x1x256xi32, #tpu.memory_space<hbm>> -> memref<256xi32, #tpu.memory_space<hbm>>
      %dma_start3A_286 = arith.constant 0 : i32
      %dma_start3A_287 = tpu.memref_slice %arg14[%run_scoped3A_197, %dma_start3A_286] : memref<2x256xi32, #tpu.memory_space<vmem>> -> memref<1x256xi32, #tpu.memory_space<vmem>>
      %dma_start3A_288 = tpu.memref_squeeze %dma_start3A_287 : memref<1x256xi32, #tpu.memory_space<vmem>> -> memref<256xi32, #tpu.memory_space<vmem>>
      %dma_start3A_289 = arith.constant 0 : i32
      %dma_start3A_290 = tpu.memref_slice %arg5[%arg0, %add3A_196, %dma_start3A_289] : memref<2x64x256xi32, #tpu.memory_space<hbm>> -> memref<1x1x256xi32, #tpu.memory_space<hbm>>
      %dma_start3A_291 = tpu.memref_squeeze %dma_start3A_290 : memref<1x1x256xi32, #tpu.memory_space<hbm>> -> memref<256xi32, #tpu.memory_space<hbm>>
      tpu.enqueue_dma source(%dma_start3A_291 : memref<256xi32, #tpu.memory_space<hbm>>) target(%dma_start3A_288 : memref<256xi32, #tpu.memory_space<vmem>>) target_semaphore(%run_scoped3A_279 : memref<!tpu.dma_semaphore, #tpu.memory_space<semaphore_mem>>)
      %dma_wait3A_292 = arith.constant 0 : i32
      %dma_wait3A_293 = tpu.memref_slice %arg14[%run_scoped3A_197, %dma_wait3A_292] : memref<2x256xi32, #tpu.memory_space<vmem>> -> memref<1x256xi32, #tpu.memory_space<vmem>>
      %dma_wait3A_294 = tpu.memref_squeeze %dma_wait3A_293 : memref<1x256xi32, #tpu.memory_space<vmem>> -> memref<256xi32, #tpu.memory_space<vmem>>
      %dma_wait3A_295 = arith.constant 0 : i32
      %dma_wait3A_296 = tpu.memref_slice %arg5[%arg0, %add3A_196, %dma_wait3A_295] : memref<2x64x256xi32, #tpu.memory_space<hbm>> -> memref<1x1x256xi32, #tpu.memory_space<hbm>>
      %dma_wait3A_297 = tpu.memref_squeeze %dma_wait3A_296 : memref<1x1x256xi32, #tpu.memory_space<hbm>> -> memref<256xi32, #tpu.memory_space<hbm>>
      %dma_wait3A_298 = arith.constant 0 : i32
      %dma_wait3A_299 = tpu.memref_slice %arg14[%run_scoped3A_197, %dma_wait3A_298] : memref<2x256xi32, #tpu.memory_space<vmem>> -> memref<1x256xi32, #tpu.memory_space<vmem>>
      %dma_wait3A_300 = tpu.memref_squeeze %dma_wait3A_299 : memref<1x256xi32, #tpu.memory_space<vmem>> -> memref<256xi32, #tpu.memory_space<vmem>>
      %dma_wait3A_301 = arith.constant 0 : i32
      %dma_wait3A_302 = tpu.memref_slice %arg5[%arg0, %add3A_196, %dma_wait3A_301] : memref<2x64x256xi32, #tpu.memory_space<hbm>> -> memref<1x1x256xi32, #tpu.memory_space<hbm>>
      %dma_wait3A_303 = tpu.memref_squeeze %dma_wait3A_302 : memref<1x1x256xi32, #tpu.memory_space<hbm>> -> memref<256xi32, #tpu.memory_space<hbm>>
      tpu.wait_dma2 semaphore(%run_scoped3A_279 : memref<!tpu.dma_semaphore, #tpu.memory_space<semaphore_mem>>) src(%dma_wait3A_303 : memref<256xi32, #tpu.memory_space<hbm>>) dst(%dma_wait3A_300 : memref<256xi32, #tpu.memory_space<vmem>>)
      tpu.yield
    }) : () -> ()
    %dma_start3A_198 = arith.constant 0 : i32
    %dma_start3A_199 = arith.constant 0 : i32
    %dma_start3A_200 = tpu.memref_slice %arg14[%dma_start3A_198, %dma_start3A_199] : memref<2x256xi32, #tpu.memory_space<vmem>> -> memref<1x256xi32, #tpu.memory_space<vmem>>
    %dma_start3A_201 = tpu.memref_squeeze %dma_start3A_200 : memref<1x256xi32, #tpu.memory_space<vmem>> -> memref<256xi32, #tpu.memory_space<vmem>>
    %dma_start3A_202 = arith.constant 0 : i32
    %dma_start3A_203 = arith.constant 0 : i32
    %dma_start3A_204 = tpu.memref_slice %arg13[%dma_start3A_202, %dma_start3A_203] : memref<10240x8xf32, #tpu.memory_space<vmem_shared>> -> memref<10240x8xf32, #tpu.memory_space<vmem_shared>>
    tpu.enqueue_indirect_dma source(%dma_start3A_204 : memref<10240x8xf32, #tpu.memory_space<vmem_shared>>) target(%arg16 : memref<256x8xf32, #tpu.memory_space<vmem>>) offsets(%dma_start3A_201 : memref<256xi32, #tpu.memory_space<vmem>>) semaphore(%arg17 : memref<!tpu.dma_semaphore, #tpu.memory_space<semaphore_mem>>)
    %dma_wait3A_205 = arith.constant 0 : i32
    %dma_wait3A_206 = arith.constant 0 : i32
    %dma_wait3A_207 = tpu.memref_slice %arg14[%dma_wait3A_205, %dma_wait3A_206] : memref<2x256xi32, #tpu.memory_space<vmem>> -> memref<1x256xi32, #tpu.memory_space<vmem>>
    %dma_wait3A_208 = tpu.memref_squeeze %dma_wait3A_207 : memref<1x256xi32, #tpu.memory_space<vmem>> -> memref<256xi32, #tpu.memory_space<vmem>>
    %dma_wait3A_209 = arith.constant 0 : i32
    %dma_wait3A_210 = arith.constant 0 : i32
    %dma_wait3A_211 = tpu.memref_slice %arg13[%dma_wait3A_209, %dma_wait3A_210] : memref<10240x8xf32, #tpu.memory_space<vmem_shared>> -> memref<10240x8xf32, #tpu.memory_space<vmem_shared>>
    tpu.wait_indirect_dma semaphore(%arg17 : memref<!tpu.dma_semaphore, #tpu.memory_space<semaphore_mem>>) src(%dma_wait3A_211 : memref<10240x8xf32, #tpu.memory_space<vmem_shared>>) dst(%arg16 : memref<256x8xf32, #tpu.memory_space<vmem>>)
    %add3A_212 = arith.constant 0 : i32
    %add3A_213 = arith.addi %mul3A_28, %add3A_212 : i32
    %mul3A_214 = arith.constant 256 : i32
    %mul3A_215 = arith.muli %add3A_213, %mul3A_214 : i32
    "tpu.region"() ({
      %run_scoped3A_279 = tpu.sem_alloc : memref<!tpu.dma_semaphore, #tpu.memory_space<semaphore_mem>>
      %dma_start3A_280 = arith.constant 0 : i32
      %dma_start3A_281 = tpu.memref_slice %arg11[%arg0, %mul3A_215, %dma_start3A_280] : memref<2x16384x8xf32, #tpu.memory_space<hbm>> -> memref<1x256x8xf32, #tpu.memory_space<hbm>>
      %dma_start3A_282 = tpu.memref_squeeze %dma_start3A_281 : memref<1x256x8xf32, #tpu.memory_space<hbm>> -> memref<256x8xf32, #tpu.memory_space<hbm>>
      %dma_start3A_283 = arith.constant 0 : i32
      %dma_start3A_284 = tpu.memref_slice %arg11[%arg0, %mul3A_215, %dma_start3A_283] : memref<2x16384x8xf32, #tpu.memory_space<hbm>> -> memref<1x256x8xf32, #tpu.memory_space<hbm>>
      %dma_start3A_285 = tpu.memref_squeeze %dma_start3A_284 : memref<1x256x8xf32, #tpu.memory_space<hbm>> -> memref<256x8xf32, #tpu.memory_space<hbm>>
      tpu.enqueue_dma source(%arg16 : memref<256x8xf32, #tpu.memory_space<vmem>>) target(%dma_start3A_285 : memref<256x8xf32, #tpu.memory_space<hbm>>) target_semaphore(%run_scoped3A_279 : memref<!tpu.dma_semaphore, #tpu.memory_space<semaphore_mem>>)
      %dma_wait3A_286 = arith.constant 0 : i32
      %dma_wait3A_287 = tpu.memref_slice %arg11[%arg0, %mul3A_215, %dma_wait3A_286] : memref<2x16384x8xf32, #tpu.memory_space<hbm>> -> memref<1x256x8xf32, #tpu.memory_space<hbm>>
      %dma_wait3A_288 = tpu.memref_squeeze %dma_wait3A_287 : memref<1x256x8xf32, #tpu.memory_space<hbm>> -> memref<256x8xf32, #tpu.memory_space<hbm>>
      %dma_wait3A_289 = arith.constant 0 : i32
      %dma_wait3A_290 = tpu.memref_slice %arg11[%arg0, %mul3A_215, %dma_wait3A_289] : memref<2x16384x8xf32, #tpu.memory_space<hbm>> -> memref<1x256x8xf32, #tpu.memory_space<hbm>>
      %dma_wait3A_291 = tpu.memref_squeeze %dma_wait3A_290 : memref<1x256x8xf32, #tpu.memory_space<hbm>> -> memref<256x8xf32, #tpu.memory_space<hbm>>
      tpu.wait_dma2 semaphore(%run_scoped3A_279 : memref<!tpu.dma_semaphore, #tpu.memory_space<semaphore_mem>>) src(%arg16 : memref<256x8xf32, #tpu.memory_space<vmem>>) dst(%dma_wait3A_291 : memref<256x8xf32, #tpu.memory_space<hbm>>)
      tpu.yield
    }) : () -> ()
    %add3A_216 = arith.constant 1 : i32
    %add3A_217 = arith.addi %mul3A_28, %add3A_216 : i32
    %run_scoped3A_218 = arith.constant 0 : i32
    "tpu.region"() ({
      %run_scoped3A_279 = tpu.sem_alloc : memref<!tpu.dma_semaphore, #tpu.memory_space<semaphore_mem>>
      %dma_start3A_280 = arith.constant 0 : i32
      %dma_start3A_281 = tpu.memref_slice %arg14[%run_scoped3A_218, %dma_start3A_280] : memref<2x256xi32, #tpu.memory_space<vmem>> -> memref<1x256xi32, #tpu.memory_space<vmem>>
      %dma_start3A_282 = tpu.memref_squeeze %dma_start3A_281 : memref<1x256xi32, #tpu.memory_space<vmem>> -> memref<256xi32, #tpu.memory_space<vmem>>
      %dma_start3A_283 = arith.constant 0 : i32
      %dma_start3A_284 = tpu.memref_slice %arg5[%arg0, %add3A_217, %dma_start3A_283] : memref<2x64x256xi32, #tpu.memory_space<hbm>> -> memref<1x1x256xi32, #tpu.memory_space<hbm>>
      %dma_start3A_285 = tpu.memref_squeeze %dma_start3A_284 : memref<1x1x256xi32, #tpu.memory_space<hbm>> -> memref<256xi32, #tpu.memory_space<hbm>>
      %dma_start3A_286 = arith.constant 0 : i32
      %dma_start3A_287 = tpu.memref_slice %arg14[%run_scoped3A_218, %dma_start3A_286] : memref<2x256xi32, #tpu.memory_space<vmem>> -> memref<1x256xi32, #tpu.memory_space<vmem>>
      %dma_start3A_288 = tpu.memref_squeeze %dma_start3A_287 : memref<1x256xi32, #tpu.memory_space<vmem>> -> memref<256xi32, #tpu.memory_space<vmem>>
      %dma_start3A_289 = arith.constant 0 : i32
      %dma_start3A_290 = tpu.memref_slice %arg5[%arg0, %add3A_217, %dma_start3A_289] : memref<2x64x256xi32, #tpu.memory_space<hbm>> -> memref<1x1x256xi32, #tpu.memory_space<hbm>>
      %dma_start3A_291 = tpu.memref_squeeze %dma_start3A_290 : memref<1x1x256xi32, #tpu.memory_space<hbm>> -> memref<256xi32, #tpu.memory_space<hbm>>
      tpu.enqueue_dma source(%dma_start3A_291 : memref<256xi32, #tpu.memory_space<hbm>>) target(%dma_start3A_288 : memref<256xi32, #tpu.memory_space<vmem>>) target_semaphore(%run_scoped3A_279 : memref<!tpu.dma_semaphore, #tpu.memory_space<semaphore_mem>>)
      %dma_wait3A_292 = arith.constant 0 : i32
      %dma_wait3A_293 = tpu.memref_slice %arg14[%run_scoped3A_218, %dma_wait3A_292] : memref<2x256xi32, #tpu.memory_space<vmem>> -> memref<1x256xi32, #tpu.memory_space<vmem>>
      %dma_wait3A_294 = tpu.memref_squeeze %dma_wait3A_293 : memref<1x256xi32, #tpu.memory_space<vmem>> -> memref<256xi32, #tpu.memory_space<vmem>>
      %dma_wait3A_295 = arith.constant 0 : i32
      %dma_wait3A_296 = tpu.memref_slice %arg5[%arg0, %add3A_217, %dma_wait3A_295] : memref<2x64x256xi32, #tpu.memory_space<hbm>> -> memref<1x1x256xi32, #tpu.memory_space<hbm>>
      %dma_wait3A_297 = tpu.memref_squeeze %dma_wait3A_296 : memref<1x1x256xi32, #tpu.memory_space<hbm>> -> memref<256xi32, #tpu.memory_space<hbm>>
      %dma_wait3A_298 = arith.constant 0 : i32
      %dma_wait3A_299 = tpu.memref_slice %arg14[%run_scoped3A_218, %dma_wait3A_298] : memref<2x256xi32, #tpu.memory_space<vmem>> -> memref<1x256xi32, #tpu.memory_space<vmem>>
      %dma_wait3A_300 = tpu.memref_squeeze %dma_wait3A_299 : memref<1x256xi32, #tpu.memory_space<vmem>> -> memref<256xi32, #tpu.memory_space<vmem>>
      %dma_wait3A_301 = arith.constant 0 : i32
      %dma_wait3A_302 = tpu.memref_slice %arg5[%arg0, %add3A_217, %dma_wait3A_301] : memref<2x64x256xi32, #tpu.memory_space<hbm>> -> memref<1x1x256xi32, #tpu.memory_space<hbm>>
      %dma_wait3A_303 = tpu.memref_squeeze %dma_wait3A_302 : memref<1x1x256xi32, #tpu.memory_space<hbm>> -> memref<256xi32, #tpu.memory_space<hbm>>
      tpu.wait_dma2 semaphore(%run_scoped3A_279 : memref<!tpu.dma_semaphore, #tpu.memory_space<semaphore_mem>>) src(%dma_wait3A_303 : memref<256xi32, #tpu.memory_space<hbm>>) dst(%dma_wait3A_300 : memref<256xi32, #tpu.memory_space<vmem>>)
      tpu.yield
    }) : () -> ()
    %dma_start3A_219 = arith.constant 0 : i32
    %dma_start3A_220 = arith.constant 0 : i32
    %dma_start3A_221 = tpu.memref_slice %arg14[%dma_start3A_219, %dma_start3A_220] : memref<2x256xi32, #tpu.memory_space<vmem>> -> memref<1x256xi32, #tpu.memory_space<vmem>>
    %dma_start3A_222 = tpu.memref_squeeze %dma_start3A_221 : memref<1x256xi32, #tpu.memory_space<vmem>> -> memref<256xi32, #tpu.memory_space<vmem>>
    %dma_start3A_223 = arith.constant 0 : i32
    %dma_start3A_224 = arith.constant 0 : i32
    %dma_start3A_225 = tpu.memref_slice %arg13[%dma_start3A_223, %dma_start3A_224] : memref<10240x8xf32, #tpu.memory_space<vmem_shared>> -> memref<10240x8xf32, #tpu.memory_space<vmem_shared>>
    tpu.enqueue_indirect_dma source(%dma_start3A_225 : memref<10240x8xf32, #tpu.memory_space<vmem_shared>>) target(%arg16 : memref<256x8xf32, #tpu.memory_space<vmem>>) offsets(%dma_start3A_222 : memref<256xi32, #tpu.memory_space<vmem>>) semaphore(%arg17 : memref<!tpu.dma_semaphore, #tpu.memory_space<semaphore_mem>>)
    %dma_wait3A_226 = arith.constant 0 : i32
    %dma_wait3A_227 = arith.constant 0 : i32
    %dma_wait3A_228 = tpu.memref_slice %arg14[%dma_wait3A_226, %dma_wait3A_227] : memref<2x256xi32, #tpu.memory_space<vmem>> -> memref<1x256xi32, #tpu.memory_space<vmem>>
    %dma_wait3A_229 = tpu.memref_squeeze %dma_wait3A_228 : memref<1x256xi32, #tpu.memory_space<vmem>> -> memref<256xi32, #tpu.memory_space<vmem>>
    %dma_wait3A_230 = arith.constant 0 : i32
    %dma_wait3A_231 = arith.constant 0 : i32
    %dma_wait3A_232 = tpu.memref_slice %arg13[%dma_wait3A_230, %dma_wait3A_231] : memref<10240x8xf32, #tpu.memory_space<vmem_shared>> -> memref<10240x8xf32, #tpu.memory_space<vmem_shared>>
    tpu.wait_indirect_dma semaphore(%arg17 : memref<!tpu.dma_semaphore, #tpu.memory_space<semaphore_mem>>) src(%dma_wait3A_232 : memref<10240x8xf32, #tpu.memory_space<vmem_shared>>) dst(%arg16 : memref<256x8xf32, #tpu.memory_space<vmem>>)
    %add3A_233 = arith.constant 1 : i32
    %add3A_234 = arith.addi %mul3A_28, %add3A_233 : i32
    %mul3A_235 = arith.constant 256 : i32
    %mul3A_236 = arith.muli %add3A_234, %mul3A_235 : i32
    "tpu.region"() ({
      %run_scoped3A_279 = tpu.sem_alloc : memref<!tpu.dma_semaphore, #tpu.memory_space<semaphore_mem>>
      %dma_start3A_280 = arith.constant 0 : i32
      %dma_start3A_281 = tpu.memref_slice %arg11[%arg0, %mul3A_236, %dma_start3A_280] : memref<2x16384x8xf32, #tpu.memory_space<hbm>> -> memref<1x256x8xf32, #tpu.memory_space<hbm>>
      %dma_start3A_282 = tpu.memref_squeeze %dma_start3A_281 : memref<1x256x8xf32, #tpu.memory_space<hbm>> -> memref<256x8xf32, #tpu.memory_space<hbm>>
      %dma_start3A_283 = arith.constant 0 : i32
      %dma_start3A_284 = tpu.memref_slice %arg11[%arg0, %mul3A_236, %dma_start3A_283] : memref<2x16384x8xf32, #tpu.memory_space<hbm>> -> memref<1x256x8xf32, #tpu.memory_space<hbm>>
      %dma_start3A_285 = tpu.memref_squeeze %dma_start3A_284 : memref<1x256x8xf32, #tpu.memory_space<hbm>> -> memref<256x8xf32, #tpu.memory_space<hbm>>
      tpu.enqueue_dma source(%arg16 : memref<256x8xf32, #tpu.memory_space<vmem>>) target(%dma_start3A_285 : memref<256x8xf32, #tpu.memory_space<hbm>>) target_semaphore(%run_scoped3A_279 : memref<!tpu.dma_semaphore, #tpu.memory_space<semaphore_mem>>)
      %dma_wait3A_286 = arith.constant 0 : i32
      %dma_wait3A_287 = tpu.memref_slice %arg11[%arg0, %mul3A_236, %dma_wait3A_286] : memref<2x16384x8xf32, #tpu.memory_space<hbm>> -> memref<1x256x8xf32, #tpu.memory_space<hbm>>
      %dma_wait3A_288 = tpu.memref_squeeze %dma_wait3A_287 : memref<1x256x8xf32, #tpu.memory_space<hbm>> -> memref<256x8xf32, #tpu.memory_space<hbm>>
      %dma_wait3A_289 = arith.constant 0 : i32
      %dma_wait3A_290 = tpu.memref_slice %arg11[%arg0, %mul3A_236, %dma_wait3A_289] : memref<2x16384x8xf32, #tpu.memory_space<hbm>> -> memref<1x256x8xf32, #tpu.memory_space<hbm>>
      %dma_wait3A_291 = tpu.memref_squeeze %dma_wait3A_290 : memref<1x256x8xf32, #tpu.memory_space<hbm>> -> memref<256x8xf32, #tpu.memory_space<hbm>>
      tpu.wait_dma2 semaphore(%run_scoped3A_279 : memref<!tpu.dma_semaphore, #tpu.memory_space<semaphore_mem>>) src(%arg16 : memref<256x8xf32, #tpu.memory_space<vmem>>) dst(%dma_wait3A_291 : memref<256x8xf32, #tpu.memory_space<hbm>>)
      tpu.yield
    }) : () -> ()
    %add3A_237 = arith.constant 2 : i32
    %add3A_238 = arith.addi %mul3A_28, %add3A_237 : i32
    %run_scoped3A_239 = arith.constant 0 : i32
    "tpu.region"() ({
      %run_scoped3A_279 = tpu.sem_alloc : memref<!tpu.dma_semaphore, #tpu.memory_space<semaphore_mem>>
      %dma_start3A_280 = arith.constant 0 : i32
      %dma_start3A_281 = tpu.memref_slice %arg14[%run_scoped3A_239, %dma_start3A_280] : memref<2x256xi32, #tpu.memory_space<vmem>> -> memref<1x256xi32, #tpu.memory_space<vmem>>
      %dma_start3A_282 = tpu.memref_squeeze %dma_start3A_281 : memref<1x256xi32, #tpu.memory_space<vmem>> -> memref<256xi32, #tpu.memory_space<vmem>>
      %dma_start3A_283 = arith.constant 0 : i32
      %dma_start3A_284 = tpu.memref_slice %arg5[%arg0, %add3A_238, %dma_start3A_283] : memref<2x64x256xi32, #tpu.memory_space<hbm>> -> memref<1x1x256xi32, #tpu.memory_space<hbm>>
      %dma_start3A_285 = tpu.memref_squeeze %dma_start3A_284 : memref<1x1x256xi32, #tpu.memory_space<hbm>> -> memref<256xi32, #tpu.memory_space<hbm>>
      %dma_start3A_286 = arith.constant 0 : i32
      %dma_start3A_287 = tpu.memref_slice %arg14[%run_scoped3A_239, %dma_start3A_286] : memref<2x256xi32, #tpu.memory_space<vmem>> -> memref<1x256xi32, #tpu.memory_space<vmem>>
      %dma_start3A_288 = tpu.memref_squeeze %dma_start3A_287 : memref<1x256xi32, #tpu.memory_space<vmem>> -> memref<256xi32, #tpu.memory_space<vmem>>
      %dma_start3A_289 = arith.constant 0 : i32
      %dma_start3A_290 = tpu.memref_slice %arg5[%arg0, %add3A_238, %dma_start3A_289] : memref<2x64x256xi32, #tpu.memory_space<hbm>> -> memref<1x1x256xi32, #tpu.memory_space<hbm>>
      %dma_start3A_291 = tpu.memref_squeeze %dma_start3A_290 : memref<1x1x256xi32, #tpu.memory_space<hbm>> -> memref<256xi32, #tpu.memory_space<hbm>>
      tpu.enqueue_dma source(%dma_start3A_291 : memref<256xi32, #tpu.memory_space<hbm>>) target(%dma_start3A_288 : memref<256xi32, #tpu.memory_space<vmem>>) target_semaphore(%run_scoped3A_279 : memref<!tpu.dma_semaphore, #tpu.memory_space<semaphore_mem>>)
      %dma_wait3A_292 = arith.constant 0 : i32
      %dma_wait3A_293 = tpu.memref_slice %arg14[%run_scoped3A_239, %dma_wait3A_292] : memref<2x256xi32, #tpu.memory_space<vmem>> -> memref<1x256xi32, #tpu.memory_space<vmem>>
      %dma_wait3A_294 = tpu.memref_squeeze %dma_wait3A_293 : memref<1x256xi32, #tpu.memory_space<vmem>> -> memref<256xi32, #tpu.memory_space<vmem>>
      %dma_wait3A_295 = arith.constant 0 : i32
      %dma_wait3A_296 = tpu.memref_slice %arg5[%arg0, %add3A_238, %dma_wait3A_295] : memref<2x64x256xi32, #tpu.memory_space<hbm>> -> memref<1x1x256xi32, #tpu.memory_space<hbm>>
      %dma_wait3A_297 = tpu.memref_squeeze %dma_wait3A_296 : memref<1x1x256xi32, #tpu.memory_space<hbm>> -> memref<256xi32, #tpu.memory_space<hbm>>
      %dma_wait3A_298 = arith.constant 0 : i32
      %dma_wait3A_299 = tpu.memref_slice %arg14[%run_scoped3A_239, %dma_wait3A_298] : memref<2x256xi32, #tpu.memory_space<vmem>> -> memref<1x256xi32, #tpu.memory_space<vmem>>
      %dma_wait3A_300 = tpu.memref_squeeze %dma_wait3A_299 : memref<1x256xi32, #tpu.memory_space<vmem>> -> memref<256xi32, #tpu.memory_space<vmem>>
      %dma_wait3A_301 = arith.constant 0 : i32
      %dma_wait3A_302 = tpu.memref_slice %arg5[%arg0, %add3A_238, %dma_wait3A_301] : memref<2x64x256xi32, #tpu.memory_space<hbm>> -> memref<1x1x256xi32, #tpu.memory_space<hbm>>
      %dma_wait3A_303 = tpu.memref_squeeze %dma_wait3A_302 : memref<1x1x256xi32, #tpu.memory_space<hbm>> -> memref<256xi32, #tpu.memory_space<hbm>>
      tpu.wait_dma2 semaphore(%run_scoped3A_279 : memref<!tpu.dma_semaphore, #tpu.memory_space<semaphore_mem>>) src(%dma_wait3A_303 : memref<256xi32, #tpu.memory_space<hbm>>) dst(%dma_wait3A_300 : memref<256xi32, #tpu.memory_space<vmem>>)
      tpu.yield
    }) : () -> ()
    %dma_start3A_240 = arith.constant 0 : i32
    %dma_start3A_241 = arith.constant 0 : i32
    %dma_start3A_242 = tpu.memref_slice %arg14[%dma_start3A_240, %dma_start3A_241] : memref<2x256xi32, #tpu.memory_space<vmem>> -> memref<1x256xi32, #tpu.memory_space<vmem>>
    %dma_start3A_243 = tpu.memref_squeeze %dma_start3A_242 : memref<1x256xi32, #tpu.memory_space<vmem>> -> memref<256xi32, #tpu.memory_space<vmem>>
    %dma_start3A_244 = arith.constant 0 : i32
    %dma_start3A_245 = arith.constant 0 : i32
    %dma_start3A_246 = tpu.memref_slice %arg13[%dma_start3A_244, %dma_start3A_245] : memref<10240x8xf32, #tpu.memory_space<vmem_shared>> -> memref<10240x8xf32, #tpu.memory_space<vmem_shared>>
    tpu.enqueue_indirect_dma source(%dma_start3A_246 : memref<10240x8xf32, #tpu.memory_space<vmem_shared>>) target(%arg16 : memref<256x8xf32, #tpu.memory_space<vmem>>) offsets(%dma_start3A_243 : memref<256xi32, #tpu.memory_space<vmem>>) semaphore(%arg17 : memref<!tpu.dma_semaphore, #tpu.memory_space<semaphore_mem>>)
    %dma_wait3A_247 = arith.constant 0 : i32
    %dma_wait3A_248 = arith.constant 0 : i32
    %dma_wait3A_249 = tpu.memref_slice %arg14[%dma_wait3A_247, %dma_wait3A_248] : memref<2x256xi32, #tpu.memory_space<vmem>> -> memref<1x256xi32, #tpu.memory_space<vmem>>
    %dma_wait3A_250 = tpu.memref_squeeze %dma_wait3A_249 : memref<1x256xi32, #tpu.memory_space<vmem>> -> memref<256xi32, #tpu.memory_space<vmem>>
    %dma_wait3A_251 = arith.constant 0 : i32
    %dma_wait3A_252 = arith.constant 0 : i32
    %dma_wait3A_253 = tpu.memref_slice %arg13[%dma_wait3A_251, %dma_wait3A_252] : memref<10240x8xf32, #tpu.memory_space<vmem_shared>> -> memref<10240x8xf32, #tpu.memory_space<vmem_shared>>
    tpu.wait_indirect_dma semaphore(%arg17 : memref<!tpu.dma_semaphore, #tpu.memory_space<semaphore_mem>>) src(%dma_wait3A_253 : memref<10240x8xf32, #tpu.memory_space<vmem_shared>>) dst(%arg16 : memref<256x8xf32, #tpu.memory_space<vmem>>)
    %add3A_254 = arith.constant 2 : i32
    %add3A_255 = arith.addi %mul3A_28, %add3A_254 : i32
    %mul3A_256 = arith.constant 256 : i32
    %mul3A_257 = arith.muli %add3A_255, %mul3A_256 : i32
    "tpu.region"() ({
      %run_scoped3A_279 = tpu.sem_alloc : memref<!tpu.dma_semaphore, #tpu.memory_space<semaphore_mem>>
      %dma_start3A_280 = arith.constant 0 : i32
      %dma_start3A_281 = tpu.memref_slice %arg11[%arg0, %mul3A_257, %dma_start3A_280] : memref<2x16384x8xf32, #tpu.memory_space<hbm>> -> memref<1x256x8xf32, #tpu.memory_space<hbm>>
      %dma_start3A_282 = tpu.memref_squeeze %dma_start3A_281 : memref<1x256x8xf32, #tpu.memory_space<hbm>> -> memref<256x8xf32, #tpu.memory_space<hbm>>
      %dma_start3A_283 = arith.constant 0 : i32
      %dma_start3A_284 = tpu.memref_slice %arg11[%arg0, %mul3A_257, %dma_start3A_283] : memref<2x16384x8xf32, #tpu.memory_space<hbm>> -> memref<1x256x8xf32, #tpu.memory_space<hbm>>
      %dma_start3A_285 = tpu.memref_squeeze %dma_start3A_284 : memref<1x256x8xf32, #tpu.memory_space<hbm>> -> memref<256x8xf32, #tpu.memory_space<hbm>>
      tpu.enqueue_dma source(%arg16 : memref<256x8xf32, #tpu.memory_space<vmem>>) target(%dma_start3A_285 : memref<256x8xf32, #tpu.memory_space<hbm>>) target_semaphore(%run_scoped3A_279 : memref<!tpu.dma_semaphore, #tpu.memory_space<semaphore_mem>>)
      %dma_wait3A_286 = arith.constant 0 : i32
      %dma_wait3A_287 = tpu.memref_slice %arg11[%arg0, %mul3A_257, %dma_wait3A_286] : memref<2x16384x8xf32, #tpu.memory_space<hbm>> -> memref<1x256x8xf32, #tpu.memory_space<hbm>>
      %dma_wait3A_288 = tpu.memref_squeeze %dma_wait3A_287 : memref<1x256x8xf32, #tpu.memory_space<hbm>> -> memref<256x8xf32, #tpu.memory_space<hbm>>
      %dma_wait3A_289 = arith.constant 0 : i32
      %dma_wait3A_290 = tpu.memref_slice %arg11[%arg0, %mul3A_257, %dma_wait3A_289] : memref<2x16384x8xf32, #tpu.memory_space<hbm>> -> memref<1x256x8xf32, #tpu.memory_space<hbm>>
      %dma_wait3A_291 = tpu.memref_squeeze %dma_wait3A_290 : memref<1x256x8xf32, #tpu.memory_space<hbm>> -> memref<256x8xf32, #tpu.memory_space<hbm>>
      tpu.wait_dma2 semaphore(%run_scoped3A_279 : memref<!tpu.dma_semaphore, #tpu.memory_space<semaphore_mem>>) src(%arg16 : memref<256x8xf32, #tpu.memory_space<vmem>>) dst(%dma_wait3A_291 : memref<256x8xf32, #tpu.memory_space<hbm>>)
      tpu.yield
    }) : () -> ()
    %add3A_258 = arith.constant 3 : i32
    %add3A_259 = arith.addi %mul3A_28, %add3A_258 : i32
    %run_scoped3A_260 = arith.constant 0 : i32
    "tpu.region"() ({
      %run_scoped3A_279 = tpu.sem_alloc : memref<!tpu.dma_semaphore, #tpu.memory_space<semaphore_mem>>
      %dma_start3A_280 = arith.constant 0 : i32
      %dma_start3A_281 = tpu.memref_slice %arg14[%run_scoped3A_260, %dma_start3A_280] : memref<2x256xi32, #tpu.memory_space<vmem>> -> memref<1x256xi32, #tpu.memory_space<vmem>>
      %dma_start3A_282 = tpu.memref_squeeze %dma_start3A_281 : memref<1x256xi32, #tpu.memory_space<vmem>> -> memref<256xi32, #tpu.memory_space<vmem>>
      %dma_start3A_283 = arith.constant 0 : i32
      %dma_start3A_284 = tpu.memref_slice %arg5[%arg0, %add3A_259, %dma_start3A_283] : memref<2x64x256xi32, #tpu.memory_space<hbm>> -> memref<1x1x256xi32, #tpu.memory_space<hbm>>
      %dma_start3A_285 = tpu.memref_squeeze %dma_start3A_284 : memref<1x1x256xi32, #tpu.memory_space<hbm>> -> memref<256xi32, #tpu.memory_space<hbm>>
      %dma_start3A_286 = arith.constant 0 : i32
      %dma_start3A_287 = tpu.memref_slice %arg14[%run_scoped3A_260, %dma_start3A_286] : memref<2x256xi32, #tpu.memory_space<vmem>> -> memref<1x256xi32, #tpu.memory_space<vmem>>
      %dma_start3A_288 = tpu.memref_squeeze %dma_start3A_287 : memref<1x256xi32, #tpu.memory_space<vmem>> -> memref<256xi32, #tpu.memory_space<vmem>>
      %dma_start3A_289 = arith.constant 0 : i32
      %dma_start3A_290 = tpu.memref_slice %arg5[%arg0, %add3A_259, %dma_start3A_289] : memref<2x64x256xi32, #tpu.memory_space<hbm>> -> memref<1x1x256xi32, #tpu.memory_space<hbm>>
      %dma_start3A_291 = tpu.memref_squeeze %dma_start3A_290 : memref<1x1x256xi32, #tpu.memory_space<hbm>> -> memref<256xi32, #tpu.memory_space<hbm>>
      tpu.enqueue_dma source(%dma_start3A_291 : memref<256xi32, #tpu.memory_space<hbm>>) target(%dma_start3A_288 : memref<256xi32, #tpu.memory_space<vmem>>) target_semaphore(%run_scoped3A_279 : memref<!tpu.dma_semaphore, #tpu.memory_space<semaphore_mem>>)
      %dma_wait3A_292 = arith.constant 0 : i32
      %dma_wait3A_293 = tpu.memref_slice %arg14[%run_scoped3A_260, %dma_wait3A_292] : memref<2x256xi32, #tpu.memory_space<vmem>> -> memref<1x256xi32, #tpu.memory_space<vmem>>
      %dma_wait3A_294 = tpu.memref_squeeze %dma_wait3A_293 : memref<1x256xi32, #tpu.memory_space<vmem>> -> memref<256xi32, #tpu.memory_space<vmem>>
      %dma_wait3A_295 = arith.constant 0 : i32
      %dma_wait3A_296 = tpu.memref_slice %arg5[%arg0, %add3A_259, %dma_wait3A_295] : memref<2x64x256xi32, #tpu.memory_space<hbm>> -> memref<1x1x256xi32, #tpu.memory_space<hbm>>
      %dma_wait3A_297 = tpu.memref_squeeze %dma_wait3A_296 : memref<1x1x256xi32, #tpu.memory_space<hbm>> -> memref<256xi32, #tpu.memory_space<hbm>>
      %dma_wait3A_298 = arith.constant 0 : i32
      %dma_wait3A_299 = tpu.memref_slice %arg14[%run_scoped3A_260, %dma_wait3A_298] : memref<2x256xi32, #tpu.memory_space<vmem>> -> memref<1x256xi32, #tpu.memory_space<vmem>>
      %dma_wait3A_300 = tpu.memref_squeeze %dma_wait3A_299 : memref<1x256xi32, #tpu.memory_space<vmem>> -> memref<256xi32, #tpu.memory_space<vmem>>
      %dma_wait3A_301 = arith.constant 0 : i32
      %dma_wait3A_302 = tpu.memref_slice %arg5[%arg0, %add3A_259, %dma_wait3A_301] : memref<2x64x256xi32, #tpu.memory_space<hbm>> -> memref<1x1x256xi32, #tpu.memory_space<hbm>>
      %dma_wait3A_303 = tpu.memref_squeeze %dma_wait3A_302 : memref<1x1x256xi32, #tpu.memory_space<hbm>> -> memref<256xi32, #tpu.memory_space<hbm>>
      tpu.wait_dma2 semaphore(%run_scoped3A_279 : memref<!tpu.dma_semaphore, #tpu.memory_space<semaphore_mem>>) src(%dma_wait3A_303 : memref<256xi32, #tpu.memory_space<hbm>>) dst(%dma_wait3A_300 : memref<256xi32, #tpu.memory_space<vmem>>)
      tpu.yield
    }) : () -> ()
    %dma_start3A_261 = arith.constant 0 : i32
    %dma_start3A_262 = arith.constant 0 : i32
    %dma_start3A_263 = tpu.memref_slice %arg14[%dma_start3A_261, %dma_start3A_262] : memref<2x256xi32, #tpu.memory_space<vmem>> -> memref<1x256xi32, #tpu.memory_space<vmem>>
    %dma_start3A_264 = tpu.memref_squeeze %dma_start3A_263 : memref<1x256xi32, #tpu.memory_space<vmem>> -> memref<256xi32, #tpu.memory_space<vmem>>
    %dma_start3A_265 = arith.constant 0 : i32
    %dma_start3A_266 = arith.constant 0 : i32
    %dma_start3A_267 = tpu.memref_slice %arg13[%dma_start3A_265, %dma_start3A_266] : memref<10240x8xf32, #tpu.memory_space<vmem_shared>> -> memref<10240x8xf32, #tpu.memory_space<vmem_shared>>
    tpu.enqueue_indirect_dma source(%dma_start3A_267 : memref<10240x8xf32, #tpu.memory_space<vmem_shared>>) target(%arg16 : memref<256x8xf32, #tpu.memory_space<vmem>>) offsets(%dma_start3A_264 : memref<256xi32, #tpu.memory_space<vmem>>) semaphore(%arg17 : memref<!tpu.dma_semaphore, #tpu.memory_space<semaphore_mem>>)
    %dma_wait3A_268 = arith.constant 0 : i32
    %dma_wait3A_269 = arith.constant 0 : i32
    %dma_wait3A_270 = tpu.memref_slice %arg14[%dma_wait3A_268, %dma_wait3A_269] : memref<2x256xi32, #tpu.memory_space<vmem>> -> memref<1x256xi32, #tpu.memory_space<vmem>>
    %dma_wait3A_271 = tpu.memref_squeeze %dma_wait3A_270 : memref<1x256xi32, #tpu.memory_space<vmem>> -> memref<256xi32, #tpu.memory_space<vmem>>
    %dma_wait3A_272 = arith.constant 0 : i32
    %dma_wait3A_273 = arith.constant 0 : i32
    %dma_wait3A_274 = tpu.memref_slice %arg13[%dma_wait3A_272, %dma_wait3A_273] : memref<10240x8xf32, #tpu.memory_space<vmem_shared>> -> memref<10240x8xf32, #tpu.memory_space<vmem_shared>>
    tpu.wait_indirect_dma semaphore(%arg17 : memref<!tpu.dma_semaphore, #tpu.memory_space<semaphore_mem>>) src(%dma_wait3A_274 : memref<10240x8xf32, #tpu.memory_space<vmem_shared>>) dst(%arg16 : memref<256x8xf32, #tpu.memory_space<vmem>>)
    %add3A_275 = arith.constant 3 : i32
    %add3A_276 = arith.addi %mul3A_28, %add3A_275 : i32
    %mul3A_277 = arith.constant 256 : i32
    %mul3A_278 = arith.muli %add3A_276, %mul3A_277 : i32
    "tpu.region"() ({
      %run_scoped3A_279 = tpu.sem_alloc : memref<!tpu.dma_semaphore, #tpu.memory_space<semaphore_mem>>
      %dma_start3A_280 = arith.constant 0 : i32
      %dma_start3A_281 = tpu.memref_slice %arg11[%arg0, %mul3A_278, %dma_start3A_280] : memref<2x16384x8xf32, #tpu.memory_space<hbm>> -> memref<1x256x8xf32, #tpu.memory_space<hbm>>
      %dma_start3A_282 = tpu.memref_squeeze %dma_start3A_281 : memref<1x256x8xf32, #tpu.memory_space<hbm>> -> memref<256x8xf32, #tpu.memory_space<hbm>>
      %dma_start3A_283 = arith.constant 0 : i32
      %dma_start3A_284 = tpu.memref_slice %arg11[%arg0, %mul3A_278, %dma_start3A_283] : memref<2x16384x8xf32, #tpu.memory_space<hbm>> -> memref<1x256x8xf32, #tpu.memory_space<hbm>>
      %dma_start3A_285 = tpu.memref_squeeze %dma_start3A_284 : memref<1x256x8xf32, #tpu.memory_space<hbm>> -> memref<256x8xf32, #tpu.memory_space<hbm>>
      tpu.enqueue_dma source(%arg16 : memref<256x8xf32, #tpu.memory_space<vmem>>) target(%dma_start3A_285 : memref<256x8xf32, #tpu.memory_space<hbm>>) target_semaphore(%run_scoped3A_279 : memref<!tpu.dma_semaphore, #tpu.memory_space<semaphore_mem>>)
      %dma_wait3A_286 = arith.constant 0 : i32
      %dma_wait3A_287 = tpu.memref_slice %arg11[%arg0, %mul3A_278, %dma_wait3A_286] : memref<2x16384x8xf32, #tpu.memory_space<hbm>> -> memref<1x256x8xf32, #tpu.memory_space<hbm>>
      %dma_wait3A_288 = tpu.memref_squeeze %dma_wait3A_287 : memref<1x256x8xf32, #tpu.memory_space<hbm>> -> memref<256x8xf32, #tpu.memory_space<hbm>>
      %dma_wait3A_289 = arith.constant 0 : i32
      %dma_wait3A_290 = tpu.memref_slice %arg11[%arg0, %mul3A_278, %dma_wait3A_289] : memref<2x16384x8xf32, #tpu.memory_space<hbm>> -> memref<1x256x8xf32, #tpu.memory_space<hbm>>
      %dma_wait3A_291 = tpu.memref_squeeze %dma_wait3A_290 : memref<1x256x8xf32, #tpu.memory_space<hbm>> -> memref<256x8xf32, #tpu.memory_space<hbm>>
      tpu.wait_dma2 semaphore(%run_scoped3A_279 : memref<!tpu.dma_semaphore, #tpu.memory_space<semaphore_mem>>) src(%arg16 : memref<256x8xf32, #tpu.memory_space<vmem>>) dst(%dma_wait3A_291 : memref<256x8xf32, #tpu.memory_space<hbm>>)
      tpu.yield
    }) : () -> ()
    return
  }
}

module attributes {stable_mosaic.version = 14 : i64} {
  func.func @_proj_body(%arg0: i32, %arg1: memref<2000x128xf32, #tpu.memory_space<vmem>>, %arg2: memref<2000x256xf32, #tpu.memory_space<vmem>>, %arg3: memref<128x128xf32, #tpu.memory_space<vmem>>, %arg4: memref<1x128xf32, #tpu.memory_space<vmem>>, %arg5: memref<256x128xf32, #tpu.memory_space<vmem>>, %arg6: memref<1x128xf32, #tpu.memory_space<vmem>>, %arg7: memref<2x2000x128xf32, #tpu.memory_space<vmem>>) attributes {dimension_semantics = [#tpu.dimension_semantics<arbitrary>], iteration_bounds = array<i64: 5>, scalar_prefetch = 0 : i64, scratch_operands = 0 : i64, tpu.core_type = #tpu.core_type<tc>, window_params = [{transform_indices = @transform_0, window_bounds = array<i64: 2000, 128>}, {transform_indices = @transform_1, window_bounds = array<i64: 2000, 256>}, {pipeline_mode = #tpu.pipeline_mode<synchronous>, transform_indices = @transform_2, window_bounds = array<i64: 128, 128>}, {pipeline_mode = #tpu.pipeline_mode<synchronous>, transform_indices = @transform_3, window_bounds = array<i64: 1, 128>}, {pipeline_mode = #tpu.pipeline_mode<synchronous>, transform_indices = @transform_4, window_bounds = array<i64: 256, 128>}, {pipeline_mode = #tpu.pipeline_mode<synchronous>, transform_indices = @transform_5, window_bounds = array<i64: 1, 128>}, {transform_indices = @transform_6, window_bounds = array<i64: 2, 2000, 128>}]} {
    %get3A = arith.constant 0 : index
    %get3A_0 = arith.constant 0 : index
    %get3A_1 = vector.load %arg1[%get3A, %get3A_0] : memref<2000x128xf32, #tpu.memory_space<vmem>>, vector<2000x128xf32>
    %get3A_2 = arith.constant 0 : index
    %get3A_3 = arith.constant 0 : index
    %get3A_4 = vector.load %arg3[%get3A_2, %get3A_3] : memref<128x128xf32, #tpu.memory_space<vmem>>, vector<128x128xf32>
    %dot_general3A = arith.constant dense<0.000000e+00> : vector<2000x128xf32>
    %dot_general3A_5 = tpu.matmul %get3A_1, %get3A_4, %dot_general3A {dimension_numbers = #tpu.dot_dimension_numbers<[1], [0], [0], [1], [0, 0, 1, 1], [], []>, transpose_lhs_hint = false} : vector<2000x128xf32>, vector<128x128xf32>, vector<2000x128xf32> -> vector<2000x128xf32>
    %get3A_6 = arith.constant 0 : index
    %get3A_7 = arith.constant 0 : index
    %get3A_8 = vector.load %arg4[%get3A_6, %get3A_7] : memref<1x128xf32, #tpu.memory_space<vmem>>, vector<1x128xf32>
    %add3A = vector.broadcast %get3A_8 : vector<1x128xf32> to vector<2000x128xf32>
    %add3A_9 = arith.addf %dot_general3A_5, %add3A : vector<2000x128xf32>
    %swap3A = arith.constant 0 : index
    %swap3A_10 = arith.constant 0 : index
    %swap3A_11 = arith.constant 0 : index
    %swap3A_12 = vector.load %arg7[%swap3A, %swap3A_10, %swap3A_11] : memref<2x2000x128xf32, #tpu.memory_space<vmem>>, vector<1x2000x128xf32>
    %swap3A_13 = vector.shape_cast %swap3A_12 : vector<1x2000x128xf32> to vector<2000x128xf32>
    %swap3A_14 = vector.shape_cast %add3A_9 : vector<2000x128xf32> to vector<1x2000x128xf32>
    tpu.vector_store %arg7[%swap3A, %swap3A_10, %swap3A_11], %swap3A_14 {strides = array<i32>} : memref<2x2000x128xf32, #tpu.memory_space<vmem>>, vector<1x2000x128xf32>,
    %get3A_15 = arith.constant 0 : index
    %get3A_16 = arith.constant 0 : index
    %get3A_17 = vector.load %arg2[%get3A_15, %get3A_16] : memref<2000x256xf32, #tpu.memory_space<vmem>>, vector<2000x256xf32>
    %get3A_18 = arith.constant 0 : index
    %get3A_19 = arith.constant 0 : index
    %get3A_20 = vector.load %arg5[%get3A_18, %get3A_19] : memref<256x128xf32, #tpu.memory_space<vmem>>, vector<256x128xf32>
    %dot_general3A_21 = arith.constant dense<0.000000e+00> : vector<2000x128xf32>
    %dot_general3A_22 = tpu.matmul %get3A_17, %get3A_20, %dot_general3A_21 {dimension_numbers = #tpu.dot_dimension_numbers<[1], [0], [0], [1], [0, 0, 1, 1], [], []>, transpose_lhs_hint = false} : vector<2000x256xf32>, vector<256x128xf32>, vector<2000x128xf32> -> vector<2000x128xf32>
    %get3A_23 = arith.constant 0 : index
    %get3A_24 = arith.constant 0 : index
    %get3A_25 = vector.load %arg6[%get3A_23, %get3A_24] : memref<1x128xf32, #tpu.memory_space<vmem>>, vector<1x128xf32>
    %add3A_26 = vector.broadcast %get3A_25 : vector<1x128xf32> to vector<2000x128xf32>
    %add3A_27 = arith.addf %dot_general3A_22, %add3A_26 : vector<2000x128xf32>
    %swap3A_28 = arith.constant 1 : index
    %swap3A_29 = arith.constant 0 : index
    %swap3A_30 = arith.constant 0 : index
    %swap3A_31 = vector.load %arg7[%swap3A_28, %swap3A_29, %swap3A_30] : memref<2x2000x128xf32, #tpu.memory_space<vmem>>, vector<1x2000x128xf32>
    %swap3A_32 = vector.shape_cast %swap3A_31 : vector<1x2000x128xf32> to vector<2000x128xf32>
    %swap3A_33 = vector.shape_cast %add3A_27 : vector<2000x128xf32> to vector<1x2000x128xf32>
    tpu.vector_store %arg7[%swap3A_28, %swap3A_29, %swap3A_30], %swap3A_33 {strides = array<i32>} : memref<2x2000x128xf32, #tpu.memory_space<vmem>>, vector<1x2000x128xf32>,
    return
  }
  func.func @transform_0(%arg0: i32) -> (i32, i32) {
    %c0_i32 = arith.constant 0 : i32
    %c0_i32_0 = arith.constant 0 : i32
    return %arg0, %c0_i32 : i32, i32
  }
  func.func @transform_1(%arg0: i32) -> (i32, i32) {
    %c0_i32 = arith.constant 0 : i32
    %c0_i32_0 = arith.constant 0 : i32
    return %arg0, %c0_i32 : i32, i32
  }
  func.func @transform_2(%arg0: i32) -> (i32, i32) {
    %c0_i32 = arith.constant 0 : i32
    %c0_i32_0 = arith.constant 0 : i32
    %c0_i32_1 = arith.constant 0 : i32
    return %c0_i32, %c0_i32_0 : i32, i32
  }
  func.func @transform_3(%arg0: i32) -> (i32, i32) {
    %c0_i32 = arith.constant 0 : i32
    %c0_i32_0 = arith.constant 0 : i32
    %c0_i32_1 = arith.constant 0 : i32
    return %c0_i32, %c0_i32_0 : i32, i32
  }
  func.func @transform_4(%arg0: i32) -> (i32, i32) {
    %c0_i32 = arith.constant 0 : i32
    %c0_i32_0 = arith.constant 0 : i32
    %c0_i32_1 = arith.constant 0 : i32
    return %c0_i32, %c0_i32_0 : i32, i32
  }
  func.func @transform_5(%arg0: i32) -> (i32, i32) {
    %c0_i32 = arith.constant 0 : i32
    %c0_i32_0 = arith.constant 0 : i32
    %c0_i32_1 = arith.constant 0 : i32
    return %c0_i32, %c0_i32_0 : i32, i32
  }
  func.func @transform_6(%arg0: i32) -> (i32, i32, i32) {
    %c0_i32 = arith.constant 0 : i32
    %c0_i32_0 = arith.constant 0 : i32
    %c0_i32_1 = arith.constant 0 : i32
    return %c0_i32, %arg0, %c0_i32_0 : i32, i32, i32
  }
}

module attributes {stable_mosaic.version = 14 : i64} {
  func.func @_final_body(%arg0: i32, %arg1: memref<2x2048x128xf32, #tpu.memory_space<vmem>>, %arg2: memref<2x2048x128xf32, #tpu.memory_space<vmem>>, %arg3: memref<2x2048x8xf32, #tpu.memory_space<vmem>>, %arg4: memref<128x128xf32, #tpu.memory_space<vmem>>, %arg5: memref<1x128xf32, #tpu.memory_space<vmem>>, %arg6: memref<128x128xf32, #tpu.memory_space<vmem>>, %arg7: memref<128x128xf32, #tpu.memory_space<vmem>>, %arg8: memref<1x128xf32, #tpu.memory_space<vmem>>, %arg9: memref<128x128xf32, #tpu.memory_space<vmem>>, %arg10: memref<256x128xf32, #tpu.memory_space<vmem>>, %arg11: memref<1x128xf32, #tpu.memory_space<vmem>>, %arg12: memref<128x1xf32, #tpu.memory_space<vmem>>, %arg13: memref<1x1xf32, #tpu.memory_space<vmem>>, %arg14: memref<2048x1xf32, #tpu.memory_space<vmem>>) attributes {dimension_semantics = [#tpu.dimension_semantics<arbitrary>], iteration_bounds = array<i64: 8>, scalar_prefetch = 0 : i64, scratch_operands = 0 : i64, tpu.core_type = #tpu.core_type<tc>, window_params = [{transform_indices = @transform_0, window_bounds = array<i64: 2, 2048, 128>}, {transform_indices = @transform_1, window_bounds = array<i64: 2, 2048, 128>}, {transform_indices = @transform_2, window_bounds = array<i64: 2, 2048, 8>}, {pipeline_mode = #tpu.pipeline_mode<synchronous>, transform_indices = @transform_3, window_bounds = array<i64: 128, 128>}, {pipeline_mode = #tpu.pipeline_mode<synchronous>, transform_indices = @transform_4, window_bounds = array<i64: 1, 128>}, {pipeline_mode = #tpu.pipeline_mode<synchronous>, transform_indices = @transform_5, window_bounds = array<i64: 128, 128>}, {pipeline_mode = #tpu.pipeline_mode<synchronous>, transform_indices = @transform_6, window_bounds = array<i64: 128, 128>}, {pipeline_mode = #tpu.pipeline_mode<synchronous>, transform_indices = @transform_7, window_bounds = array<i64: 1, 128>}, {pipeline_mode = #tpu.pipeline_mode<synchronous>, transform_indices = @transform_8, window_bounds = array<i64: 128, 128>}, {pipeline_mode = #tpu.pipeline_mode<synchronous>, transform_indices = @transform_9, window_bounds = array<i64: 256, 128>}, {pipeline_mode = #tpu.pipeline_mode<synchronous>, transform_indices = @transform_10, window_bounds = array<i64: 1, 128>}, {pipeline_mode = #tpu.pipeline_mode<synchronous>, transform_indices = @transform_11, window_bounds = array<i64: 128, 1>}, {pipeline_mode = #tpu.pipeline_mode<synchronous>, transform_indices = @transform_12, window_bounds = array<i64: 1, 1>}, {transform_indices = @transform_13, window_bounds = array<i64: 2048, 1>}]} {
    %get3A = arith.constant 0 : index
    %get3A_0 = arith.constant 0 : index
    %get3A_1 = arith.constant 0 : index
    %get3A_2 = vector.load %arg2[%get3A, %get3A_0, %get3A_1] : memref<2x2048x128xf32, #tpu.memory_space<vmem>>, vector<1x2048x128xf32>
    %get3A_3 = vector.shape_cast %get3A_2 : vector<1x2048x128xf32> to vector<2048x128xf32>
    %get3A_4 = arith.constant 1 : index
    %get3A_5 = arith.constant 0 : index
    %get3A_6 = arith.constant 0 : index
    %get3A_7 = vector.load %arg2[%get3A_4, %get3A_5, %get3A_6] : memref<2x2048x128xf32, #tpu.memory_space<vmem>>, vector<1x2048x128xf32>
    %get3A_8 = vector.shape_cast %get3A_7 : vector<1x2048x128xf32> to vector<2048x128xf32>
    %get3A_9 = arith.constant 0 : index
    %get3A_10 = arith.constant 0 : index
    %get3A_11 = arith.constant 0 : index
    %get3A_12 = vector.load %arg1[%get3A_9, %get3A_10, %get3A_11] : memref<2x2048x128xf32, #tpu.memory_space<vmem>>, vector<1x2048x128xf32>
    %get3A_13 = vector.shape_cast %get3A_12 : vector<1x2048x128xf32> to vector<2048x128xf32>
    %get3A_14 = arith.constant 0 : index
    %get3A_15 = arith.constant 0 : index
    %get3A_16 = arith.constant 0 : index
    %get3A_17 = vector.load %arg3[%get3A_14, %get3A_15, %get3A_16] : memref<2x2048x8xf32, #tpu.memory_space<vmem>>, vector<1x2048x1xf32>
    %get3A_18 = vector.shape_cast %get3A_17 : vector<1x2048x1xf32> to vector<2048x1xf32>
    %max3A = arith.constant 1.000000e+00 : f32
    %max3A_19 = vector.broadcast %max3A : f32 to vector<2048x1xf32>
    %max3A_20 = arith.maximumf %get3A_18, %max3A_19 : vector<2048x1xf32>
    %div3A = vector.broadcast %max3A_20 : vector<2048x1xf32> to vector<2048x128xf32>
    %div3A_21 = arith.divf %get3A_13, %div3A : vector<2048x128xf32>
    %get3A_22 = arith.constant 1 : index
    %get3A_23 = arith.constant 0 : index
    %get3A_24 = arith.constant 0 : index
    %get3A_25 = vector.load %arg1[%get3A_22, %get3A_23, %get3A_24] : memref<2x2048x128xf32, #tpu.memory_space<vmem>>, vector<1x2048x128xf32>
    %get3A_26 = vector.shape_cast %get3A_25 : vector<1x2048x128xf32> to vector<2048x128xf32>
    %get3A_27 = arith.constant 1 : index
    %get3A_28 = arith.constant 0 : index
    %get3A_29 = arith.constant 0 : index
    %get3A_30 = vector.load %arg3[%get3A_27, %get3A_28, %get3A_29] : memref<2x2048x8xf32, #tpu.memory_space<vmem>>, vector<1x2048x1xf32>
    %get3A_31 = vector.shape_cast %get3A_30 : vector<1x2048x1xf32> to vector<2048x1xf32>
    %max3A_32 = arith.constant 1.000000e+00 : f32
    %max3A_33 = vector.broadcast %max3A_32 : f32 to vector<2048x1xf32>
    %max3A_34 = arith.maximumf %get3A_31, %max3A_33 : vector<2048x1xf32>
    %div3A_35 = vector.broadcast %max3A_34 : vector<2048x1xf32> to vector<2048x128xf32>
    %div3A_36 = arith.divf %get3A_26, %div3A_35 : vector<2048x128xf32>
    %get3A_37 = arith.constant 0 : index
    %get3A_38 = arith.constant 0 : index
    %get3A_39 = vector.load %arg7[%get3A_37, %get3A_38] : memref<128x128xf32, #tpu.memory_space<vmem>>, vector<128x128xf32>
    %dot_general3A = arith.constant dense<0.000000e+00> : vector<2048x128xf32>
    %dot_general3A_40 = tpu.matmul %div3A_36, %get3A_39, %dot_general3A {dimension_numbers = #tpu.dot_dimension_numbers<[1], [0], [0], [1], [0, 0, 1, 1], [], []>, transpose_lhs_hint = false} : vector<2048x128xf32>, vector<128x128xf32>, vector<2048x128xf32> -> vector<2048x128xf32>
    %get3A_41 = arith.constant 0 : index
    %get3A_42 = arith.constant 0 : index
    %get3A_43 = vector.load %arg8[%get3A_41, %get3A_42] : memref<1x128xf32, #tpu.memory_space<vmem>>, vector<1x128xf32>
    %add3A = vector.broadcast %get3A_43 : vector<1x128xf32> to vector<2048x128xf32>
    %add3A_44 = arith.addf %dot_general3A_40, %add3A : vector<2048x128xf32>
    %get3A_45 = arith.constant 0 : index
    %get3A_46 = arith.constant 0 : index
    %get3A_47 = vector.load %arg9[%get3A_45, %get3A_46] : memref<128x128xf32, #tpu.memory_space<vmem>>, vector<128x128xf32>
    %dot_general3A_48 = arith.constant dense<0.000000e+00> : vector<2048x128xf32>
    %dot_general3A_49 = tpu.matmul %get3A_3, %get3A_47, %dot_general3A_48 {dimension_numbers = #tpu.dot_dimension_numbers<[1], [0], [0], [1], [0, 0, 1, 1], [], []>, transpose_lhs_hint = false} : vector<2048x128xf32>, vector<128x128xf32>, vector<2048x128xf32> -> vector<2048x128xf32>
    %add3A_50 = arith.addf %add3A_44, %dot_general3A_49 : vector<2048x128xf32>
    %get3A_51 = arith.constant 0 : index
    %get3A_52 = arith.constant 0 : index
    %get3A_53 = vector.load %arg4[%get3A_51, %get3A_52] : memref<128x128xf32, #tpu.memory_space<vmem>>, vector<128x128xf32>
    %dot_general3A_54 = arith.constant dense<0.000000e+00> : vector<2048x128xf32>
    %dot_general3A_55 = tpu.matmul %div3A_21, %get3A_53, %dot_general3A_54 {dimension_numbers = #tpu.dot_dimension_numbers<[1], [0], [0], [1], [0, 0, 1, 1], [], []>, transpose_lhs_hint = false} : vector<2048x128xf32>, vector<128x128xf32>, vector<2048x128xf32> -> vector<2048x128xf32>
    %get3A_56 = arith.constant 0 : index
    %get3A_57 = arith.constant 0 : index
    %get3A_58 = vector.load %arg5[%get3A_56, %get3A_57] : memref<1x128xf32, #tpu.memory_space<vmem>>, vector<1x128xf32>
    %add3A_59 = vector.broadcast %get3A_58 : vector<1x128xf32> to vector<2048x128xf32>
    %add3A_60 = arith.addf %dot_general3A_55, %add3A_59 : vector<2048x128xf32>
    %get3A_61 = arith.constant 0 : index
    %get3A_62 = arith.constant 0 : index
    %get3A_63 = vector.load %arg6[%get3A_61, %get3A_62] : memref<128x128xf32, #tpu.memory_space<vmem>>, vector<128x128xf32>
    %dot_general3A_64 = arith.constant dense<0.000000e+00> : vector<2048x128xf32>
    %dot_general3A_65 = tpu.matmul %get3A_8, %get3A_63, %dot_general3A_64 {dimension_numbers = #tpu.dot_dimension_numbers<[1], [0], [0], [1], [0, 0, 1, 1], [], []>, transpose_lhs_hint = false} : vector<2048x128xf32>, vector<128x128xf32>, vector<2048x128xf32> -> vector<2048x128xf32>
    %add3A_66 = arith.addf %add3A_60, %dot_general3A_65 : vector<2048x128xf32>
    %get3A_67 = arith.constant 0 : index
    %get3A_68 = arith.constant 0 : index
    %get3A_69 = vector.load %arg10[%get3A_67, %get3A_68] : memref<256x128xf32, #tpu.memory_space<vmem>>, vector<256x128xf32>
    %slice3A = vector.extract_strided_slice %get3A_69 {offsets = [0, 0], sizes = [128, 128], strides = [1, 1]} : vector<256x128xf32> to vector<128x128xf32>
    %dot_general3A_70 = arith.constant dense<0.000000e+00> : vector<2048x128xf32>
    %dot_general3A_71 = tpu.matmul %add3A_50, %slice3A, %dot_general3A_70 {dimension_numbers = #tpu.dot_dimension_numbers<[1], [0], [0], [1], [0, 0, 1, 1], [], []>, transpose_lhs_hint = false} : vector<2048x128xf32>, vector<128x128xf32>, vector<2048x128xf32> -> vector<2048x128xf32>
    %slice3A_72 = vector.extract_strided_slice %get3A_69 {offsets = [128, 0], sizes = [128, 128], strides = [1, 1]} : vector<256x128xf32> to vector<128x128xf32>
    %dot_general3A_73 = arith.constant dense<0.000000e+00> : vector<2048x128xf32>
    %dot_general3A_74 = tpu.matmul %add3A_66, %slice3A_72, %dot_general3A_73 {dimension_numbers = #tpu.dot_dimension_numbers<[1], [0], [0], [1], [0, 0, 1, 1], [], []>, transpose_lhs_hint = false} : vector<2048x128xf32>, vector<128x128xf32>, vector<2048x128xf32> -> vector<2048x128xf32>
    %add3A_75 = arith.addf %dot_general3A_71, %dot_general3A_74 : vector<2048x128xf32>
    %get3A_76 = arith.constant 0 : index
    %get3A_77 = arith.constant 0 : index
    %get3A_78 = vector.load %arg11[%get3A_76, %get3A_77] : memref<1x128xf32, #tpu.memory_space<vmem>>, vector<1x128xf32>
    %add3A_79 = vector.broadcast %get3A_78 : vector<1x128xf32> to vector<2048x128xf32>
    %add3A_80 = arith.addf %add3A_75, %add3A_79 : vector<2048x128xf32>
    %max3A_81 = arith.constant 0.000000e+00 : f32
    %max3A_82 = vector.broadcast %max3A_81 : f32 to vector<2048x128xf32>
    %max3A_83 = arith.maximumf %add3A_80, %max3A_82 : vector<2048x128xf32>
    %get3A_84 = arith.constant 0 : index
    %get3A_85 = arith.constant 0 : index
    %get3A_86 = vector.load %arg12[%get3A_84, %get3A_85] : memref<128x1xf32, #tpu.memory_space<vmem>>, vector<128x1xf32>
    %dot_general3A_87 = arith.constant dense<0.000000e+00> : vector<2048x1xf32>
    %dot_general3A_88 = tpu.matmul %max3A_83, %get3A_86, %dot_general3A_87 {dimension_numbers = #tpu.dot_dimension_numbers<[1], [0], [0], [1], [0, 0, 1, 1], [], []>, transpose_lhs_hint = false} : vector<2048x128xf32>, vector<128x1xf32>, vector<2048x1xf32> -> vector<2048x1xf32>
    %get3A_89 = arith.constant 0 : index
    %get3A_90 = arith.constant 0 : index
    %get3A_91 = vector.load %arg13[%get3A_89, %get3A_90] : memref<1x1xf32, #tpu.memory_space<vmem>>, vector<1x1xf32>
    %add3A_92 = vector.broadcast %get3A_91 : vector<1x1xf32> to vector<2048x1xf32>
    %add3A_93 = arith.addf %dot_general3A_88, %add3A_92 : vector<2048x1xf32>
    %swap3A = arith.constant 0 : index
    %swap3A_94 = arith.constant 0 : index
    %swap3A_95 = vector.load %arg14[%swap3A, %swap3A_94] : memref<2048x1xf32, #tpu.memory_space<vmem>>, vector<2048x1xf32>
    tpu.vector_store %arg14[%swap3A, %swap3A_94], %add3A_93 {strides = array<i32>} : memref<2048x1xf32, #tpu.memory_space<vmem>>, vector<2048x1xf32>,
    return
  }
  func.func @transform_0(%arg0: i32) -> (i32, i32, i32) {
    %c0_i32 = arith.constant 0 : i32
    %c0_i32_0 = arith.constant 0 : i32
    %c0_i32_1 = arith.constant 0 : i32
    return %c0_i32, %arg0, %c0_i32_0 : i32, i32, i32
  }
  func.func @transform_1(%arg0: i32) -> (i32, i32, i32) {
    %c0_i32 = arith.constant 0 : i32
    %c0_i32_0 = arith.constant 0 : i32
    %c0_i32_1 = arith.constant 0 : i32
    return %c0_i32, %arg0, %c0_i32_0 : i32, i32, i32
  }
  func.func @transform_2(%arg0: i32) -> (i32, i32, i32) {
    %c0_i32 = arith.constant 0 : i32
    %c0_i32_0 = arith.constant 0 : i32
    %c0_i32_1 = arith.constant 0 : i32
    return %c0_i32, %arg0, %c0_i32_0 : i32, i32, i32
  }
  func.func @transform_3(%arg0: i32) -> (i32, i32) {
    %c0_i32 = arith.constant 0 : i32
    %c0_i32_0 = arith.constant 0 : i32
    %c0_i32_1 = arith.constant 0 : i32
    return %c0_i32, %c0_i32_0 : i32, i32
  }
  func.func @transform_4(%arg0: i32) -> (i32, i32) {
    %c0_i32 = arith.constant 0 : i32
    %c0_i32_0 = arith.constant 0 : i32
    %c0_i32_1 = arith.constant 0 : i32
    return %c0_i32, %c0_i32_0 : i32, i32
  }
  func.func @transform_5(%arg0: i32) -> (i32, i32) {
    %c0_i32 = arith.constant 0 : i32
    %c0_i32_0 = arith.constant 0 : i32
    %c0_i32_1 = arith.constant 0 : i32
    return %c0_i32, %c0_i32_0 : i32, i32
  }
  func.func @transform_6(%arg0: i32) -> (i32, i32) {
    %c0_i32 = arith.constant 0 : i32
    %c0_i32_0 = arith.constant 0 : i32
    %c0_i32_1 = arith.constant 0 : i32
    return %c0_i32, %c0_i32_0 : i32, i32
  }
  func.func @transform_7(%arg0: i32) -> (i32, i32) {
    %c0_i32 = arith.constant 0 : i32
    %c0_i32_0 = arith.constant 0 : i32
    %c0_i32_1 = arith.constant 0 : i32
    return %c0_i32, %c0_i32_0 : i32, i32
  }
  func.func @transform_8(%arg0: i32) -> (i32, i32) {
    %c0_i32 = arith.constant 0 : i32
    %c0_i32_0 = arith.constant 0 : i32
    %c0_i32_1 = arith.constant 0 : i32
    return %c0_i32, %c0_i32_0 : i32, i32
  }
  func.func @transform_9(%arg0: i32) -> (i32, i32) {
    %c0_i32 = arith.constant 0 : i32
    %c0_i32_0 = arith.constant 0 : i32
    %c0_i32_1 = arith.constant 0 : i32
    return %c0_i32, %c0_i32_0 : i32, i32
  }
  func.func @transform_10(%arg0: i32) -> (i32, i32) {
    %c0_i32 = arith.constant 0 : i32
    %c0_i32_0 = arith.constant 0 : i32
    %c0_i32_1 = arith.constant 0 : i32
    return %c0_i32, %c0_i32_0 : i32, i32
  }
  func.func @transform_11(%arg0: i32) -> (i32, i32) {
    %c0_i32 = arith.constant 0 : i32
    %c0_i32_0 = arith.constant 0 : i32
    %c0_i32_1 = arith.constant 0 : i32
    return %c0_i32, %c0_i32_0 : i32, i32
  }
  func.func @transform_12(%arg0: i32) -> (i32, i32) {
    %c0_i32 = arith.constant 0 : i32
    %c0_i32_0 = arith.constant 0 : i32
    %c0_i32_1 = arith.constant 0 : i32
    return %c0_i32, %c0_i32_0 : i32, i32
  }
  func.func @transform_13(%arg0: i32) -> (i32, i32) {
    %c0_i32 = arith.constant 0 : i32
    %c0_i32_0 = arith.constant 0 : i32
    return %arg0, %c0_i32 : i32, i32
  }
}

</mosaic_0001>

<sc_bundles>
// kernel: kernel.5.cloned.1.call-start
scs
__scs_entry_jumppad:
0x0: {  	(pc) =	sbr.rel $0x88, $3  }
0x1: {  	(tag) =	ssettag $0x0;
	lr =	simm.s32 $0x1  }
0x2: {  	[smem:$0x3F8D] =	sst lr;
	_ =	strace $0xD0000000  }
0x3: {  	_ = 	snop  }
0x4: {  	_ = 	snop  }
0x5: {  	_ = 	snop  }
0x6: {  	_ = 	snop  }
0x7: {  	_ = 	snop  }
__scs_overlays_trampoline_lowered:
0x8: {  	[smem:$0x3F9C] =	sst s0  }
0x9: {  	[smem:$0x3F9D] =	sst s1  }
0xa: {  	[smem:$0x3F9E] =	sst s2  }
0xb: {  	[smem:$0x3F9F] =	sst s3  }
0xc: {  	[smem:$0x3FA0] =	sst s4  }
0xd: {  	[smem:$0x3FA1] =	sst s5  }
0xe: {  	[smem:$0x3FA2] =	sst s6  }
0xf: {  	[smem:$0x3FA3] =	sst s7  }
0x10: {  	[smem:$0x3FA4] =	sst s8  }
0x11: {  	[smem:$0x3FA5] =	sst s9;
	s0 =	simm.s32 @!p0 $0x0  }
0x12: {  	s1 =	sld [smem:$0x3F8B];
	s0 =	simm.s32 @p0 $0x1  }
0x13: {  	[smem:$0x3FA6] =	sst s0;
	s0 =	simm.s32 @!p1 $0x0  }
0x14: {  	s2 =	sld [smem:$0x3F8A];
	s0 =	simm.s32 @p1 $0x1  }
0x15: {  	[smem:$0x3FA7] =	sst s0;
	s0 =	simm.s32 @!p2 $0x0  }
0x16: {  	s3 =	sld [smem:$0x3FDB];
	s0 =	simm.s32 @p2 $0x1  }
0x17: {  	s4 =	simm.s32 $0x1BF5;
	[smem:$0x3FA9] =	sst s0  }
0x18: {  	s0 =	sld [smem:$0x3F8C];
	_ =	swait.ge [sflag:s4], $0x0  }
0x19: {  	s7 =	sld [smem:$0x3F8D]  }
0x1a: {  	s8 =	sadd.s32 $0xFFFFE003, lr  }
0x1b: {  	s9 =	sadd.s32 $0xFFFFFEF7, lr;
	s5 =	simm.s32 $0xFFFFFFFF;
	p2 =	slt.u32 s8, $0xFFFFF086  }
0x1c: {  	p1 =	slt.u32 s9, $0xF7A;
	s5 =	simm.s32 @!p2 $0x0  }
0x1d: {  	s5 =	simm.s32 @p1 $0x1;
	p0 =	seq.s32 s7, s2  }
0x1e: {  	s7 =	smul.u32 @!p0 $0xF7A, s2;
	p2 =	seq.s32 @!p0 s5, $0x0  }
0x1f: {  	s9 =	smul.u32 $0xF7A, s1;
	s8 =	simm.s32 @!p0 $0x1BF5;
	p2 =	por !p2, p0  }
0x20: {  	[sflag:s8] =	ssyncset.s32 @!p0 $0xFFFFF086;
	s6 =	sadd.s32 @!p0 s3, s7;
	s7 =	simm.s32 @!p0 $0x108  }
0x21: {  	s3 =	sadd.s32 s3, s9;
	s6 =	sadd.s32 @!p0 $0x88, s6;
	s7 =	simm.s32 @p2 $0x1082  }
0x22: {  	[simem:s7], [sflag:s8] =	dma.local @!p0 [hbm:s6], $0xF7A  }
0x23: {  	s9 =	sor.u32 $0xD0000000, s2;
	s6 =	simm.s32 $0x108;
	_ =	swait.ge @!p0 [sflag:s8], $0x0  }
0x24: {  	s3 =	sadd.s32 $0x88, s3;
	s6 =	simm.s32 @!p1 $0x1082;
	[sflag:s4] =	ssyncset.s32 $0xFFFFF086  }
0x25: {  	[simem:s6], [sflag:s4] =	dma.local [hbm:s3], $0xF7A  }
0x26: {  	[smem:$0x3F8D] =	sst s1;
	(tag) =	ssettag s2;
	_ =	strace s9  }
0x27: {  	s1 =	sld [smem:$0x3F9D]  }
0x28: {  	s2 =	sld [smem:$0x3F9E]  }
0x29: {  	s4 =	sld [smem:$0x3FA0]  }
0x2a: {  	p0 =	seq.s32 s5, $0x0;
	s5 =	sld [smem:$0x3FA1]  }
0x2b: {  	s6 =	sld [smem:$0x3FA2]  }
0x2c: {  	s7 =	sld [smem:$0x3FA3]  }
0x2d: {  	s3 =	simm.s32 $0x108;
	s8 =	sld [smem:$0x3FA4]  }
0x2e: {  	s3 =	simm.s32 @!p0 $0x1082;
	s9 =	sld [smem:$0x3FA5]  }
0x2f: {  	lr =	sadd.s32 s0, s3;
	s0 =	sld [smem:$0x3F9C]  }
0x30: {  	s3 =	sld [smem:$0x3F9F]  }
0x31: {  	[smem:$0x3FA8] =	sst s10  }
0x32: {  	s10 =	sld [smem:$0x3FA6];
	_ =	sdelay $0x3  }
0x33: {  	p0 =	seq.s32 s10, $0x1;
	s10 =	sld [smem:$0x3FA8];
	_ =	sdelay $0x3  }
0x34: {  	[smem:$0x3FA8] =	sst s10  }
0x35: {  	s10 =	sld [smem:$0x3FA7];
	_ =	sdelay $0x3  }
0x36: {  	p1 =	seq.s32 s10, $0x1;
	s10 =	sld [smem:$0x3FA8];
	_ =	sdelay $0x3  }
0x37: {  	[smem:$0x3FA8] =	sst s10  }
0x38: {  	s10 =	sld [smem:$0x3FA9]  }
0x39: {  	_ = 	snop;
	(pc) =	sbr.ind lr, $3  }
0x3a: {  	_ = 	snop  }
0x3b: {  	_ = 	snop  }
0x3c: {  	p2 =	seq.s32 s10, $0x1;
	s10 =	sld [smem:$0x3FA8]  }
0x3d: {  	_ =	shalt  }
0x3e: {  	_ =	shalt  }
0x3f: {  	_ =	shalt  }
0x40: {  	_ =	shalt  }
0x41: {  	_ =	shalt  }
0x42: {  	_ =	shalt  }
0x43: {  	_ =	shalt  }
0x44: {  	_ =	shalt  }
0x45: {  	_ =	shalt  }
0x46: {  	_ =	shalt  }
0x47: {  	_ =	shalt  }
0x48: {  	_ =	shalt  }
0x49: {  	_ =	shalt  }
0x4a: {  	_ =	shalt  }
0x4b: {  	_ =	shalt  }
0x4c: {  	_ =	shalt  }
0x4d: {  	_ =	shalt  }
0x4e: {  	_ =	shalt  }
0x4f: {  	_ =	shalt  }
0x50: {  	_ =	shalt  }
0x51: {  	_ =	shalt  }
0x52: {  	_ =	shalt  }
0x53: {  	_ =	shalt  }
0x54: {  	_ =	shalt  }
0x55: {  	_ =	shalt  }
0x56: {  	_ =	shalt  }
0x57: {  	_ =	shalt  }
0x58: {  	_ =	shalt  }
0x59: {  	_ =	shalt  }
0x5a: {  	_ =	shalt  }
0x5b: {  	_ =	shalt  }
0x5c: {  	_ =	shalt  }
0x5d: {  	_ =	shalt  }
0x5e: {  	_ =	shalt  }
0x5f: {  	_ =	shalt  }
0x60: {  	_ =	shalt  }
0x61: {  	_ =	shalt  }
0x62: {  	_ =	shalt  }
0x63: {  	_ =	shalt  }
0x64: {  	_ =	shalt  }
0x65: {  	_ =	shalt  }
0x66: {  	_ =	shalt  }
0x67: {  	_ =	shalt  }
0x68: {  	_ =	shalt  }
0x69: {  	_ =	shalt  }
0x6a: {  	_ =	shalt  }
0x6b: {  	_ =	shalt  }
0x6c: {  	_ =	shalt  }
0x6d: {  	_ =	shalt  }
0x6e: {  	_ =	shalt  }
0x6f: {  	_ =	shalt  }
0x70: {  	_ =	shalt  }
0x71: {  	_ =	shalt  }
0x72: {  	_ =	shalt  }
0x73: {  	_ =	shalt  }
0x74: {  	_ =	shalt  }
0x75: {  	_ =	shalt  }
0x76: {  	_ =	shalt  }
0x77: {  	_ =	shalt  }
0x78: {  	_ =	shalt  }
0x79: {  	_ =	shalt  }
0x7a: {  	_ =	shalt  }
0x7b: {  	_ =	shalt  }
0x7c: {  	_ =	shalt  }
0x7d: {  	_ =	shalt  }
0x7e: {  	_ =	shalt  }
0x7f: {  	_ =	shalt  }
0x80: {  	_ =	shalt  }
0x81: {  	_ =	shalt  }
0x82: {  	_ =	shalt  }
0x83: {  	_ =	shalt  }
0x84: {  	_ =	shalt  }
0x85: {  	_ =	shalt  }
0x86: {  	_ =	shalt  }
0x87: {  	_ =	shalt  }
.Lfunc_end0:
.L_simem_size_0:
called_computation_lowered:
.L_overlay_start_0:
0x88: {  	s2 =	sld [smem:$0x3FD9]  }
0x89: {  	s3 =	sld [smem:$0x3FFE];
	_ =	sdelay $0x1  }
0x8a: {  	s1 =	srdreg.scid  }
0x8b: {  	s0 =	sand.u32 $0x1, s1  }
0x8c: {  	s17 =	sshll.u32 s0, $0xA;
	s2 =	sadd.s32 s3, s2  }
0x8d: {  	s2 =	sadd.s32 s2, s17  }
0x8e: {  	[smem:$0x3FB4] =	sst s2  }
0x8f: {  	_ = 	snop  }
0x90: {  	s2 =	sld [smem:$0x3FD0];
	(tm) =	ssettm $0x1  }
0x91: {  	s18 =	sld [smem:$0x3FFB];
	_ =	sdelay $0x3  }
0x92: {  	_ =	strace s18  }
0x93: {  	s3 =	sld [smem:$0x3FFC];
	_ =	sdelay $0x3  }
0x94: {  	_ =	strace s3  }
0x95: {  	s3 =	sld [smem:$0x3FFD];
	_ =	sdelay $0x3  }
0x96: {  	_ =	strace s3  }
0x97: {  	_ =	strace $0x8FFFFFFF  }
0x98: {  	s19 =	sld [smem:$0x3FDB];
	_ =	sdelay $0x1  }
0x99: {  	s4 =	simm.s32 $_scs_section_size  }
0x9a: {  	s5 =	simm.s32 $_size__tile_overlayer_lowered;
	s6 =	simm.s32 $_tile_overlayer_lowered  }
0x9b: {  	s22 =	simm.s32 $0x1BFF;
	s21 =	sshll.u32 s6, $0x1;
	s3 =	sadd.s32 s4, s19  }
0x9c: {  	s7 =	simm.s32 $0x0;
	s20 =	sshll.u32 s5, $0x1;
	s5 =	sadd.s32 s21, s3  }
0x9d: {  	[timem:s7], [sflag:s22] =	dma.local [hbm:s5], s20  }
0x9e: {  	_ =	swait.ge [sflag:s22], s20  }
0x9f: {  	s4 =	ssub.s32 $0x0, s20;
	[sflag:s22] =	ssyncset.done $0x0  }
0xa0: {  	[sflag:s22] =	ssyncadd.s32 s4;
	_ =	sdelay $0x1  }
0xa1: {  	s23 =	simm.s32 $0x1B8B  }
0xa2: {  	_ =	swait.ge [sflag:s23], $0x1  }
0xa3: {  	[sflag:s23] =	ssyncset.done $0x0  }
0xa4: {  	s25 =	simm.s32 $0x1B8E;
	s24 =	sld [smem:$0x3FFE];
	[sflag:s23] =	ssyncadd.s32 $0xFFFFFFFF  }
0xa5: {  	s26 =	simm.s32 $execute0_lowered;
	[smem:$0x3FD2] =	sst s25  }
0xa6: {  	s5 =	sshll.u32 s26, $0x1;
	_ =	strace $0x80000046;
	[dreg:$0x1] =	wrdreg $0xFFFFFFFF  }
0xa7: {  	s28 =	simm.s32 $_size_execute0_lowered;
	s3 =	sadd.s32 s3, s5;
	[dreg:$0x0] =	wrdreg $0x0  }
0xa8: {  	s5 =	sshll.u32 s28, $0x1;
	[dreg:$0x2] =	wrdreg s3  }
0xa9: {  	[dreg:$0x3] =	wrdreg s5  }
0xaa: {  	[dreg:$0x4] =	wrdreg $0xC0  }
0xab: {  	_ =	task [dreg:s7], $0x5FFFF  }
0xac: {  	[dreg:$0x1] =	wrdreg $0xFFFFFFFF  }
0xad: {  	[dreg:$0x0] =	wrdreg $0x60  }
0xae: {  	[dreg:$0x2] =	wrdreg s24  }
0xaf: {  	[dreg:$0x3] =	wrdreg s2  }
0xb0: {  	[dreg:$0x4] =	wrdreg $0x0  }
0xb1: {  	[dreg:$0x5] =	wrdreg $0x140000  }
0xb2: {  	[dreg:$0x6] =	wrdreg $0x9  }
0xb3: {  	_ =	task.clear_ibuf [dreg:s7], $0x7FFFF;
	_ =	strace $0x90000046  }
0xb4: {  	s29 =	simm.s32 $0x9;
	_ =	strace $0x80000048  }
0xb5: {  	_ =	swait.ge [sflag:s29], $0x1  }
0xb6: {  	[sflag:s29] =	ssyncadd.s32 $0xFFFFFFFF  }
0xb7: {  	_ =	strace $0x90000048  }
0xb8: {  	_ =	sfence  }
0xb9: {  	s30 =	sld [smem:$0x0];
	_ =	sdelay $0x2  }
0xba: {  	s31 =	sshll.u32 s1, $0xD;
	s1 =	sshrl.u32 s1, $0x2  }
0xbb: {  	s3 =	sand.u32 $0x4000, s31;
	s1 =	sadd.s32 s1, s30  }
0xbc: {  	s0 =	sor.u32 s3, s0;
	s1 =	sshll.u32 s1, $0x11  }
0xbd: {  	s0 =	sor.u32 s1, s0  }
0xbe: {  	s0 =	sadd.s32 $0x8F2B, s0  }
0xbf: {  	[sflag:s0] =	ssyncadd.remote.s32 $0x1  }
0xc0: {  	_ =	sfence.sel $0xFFFF  }
0xc1: {  	[dreg:$0x0] =	wrdreg $0xFFFFFFFF;
	(pc) =	sbr.abs _section_cstart, $3  }
0xc2: {  	[dreg:$0x1] =	wrdreg $0xFFFFFFFF  }
0xc3: {  	_ =	task.clear_ibuf [dreg:s7], $0x2FFFF;
	_ =	strace $0x9FFFFFFF  }
0xc4: {  	(tm) =	ssettm $0x7FFFFFFF  }
0xc5: {  	_ =	shalt  }
tec
execute0_lowered:
.L_overlay_start_1:
0x0: {  	(tag) =	ssettag $0x1  }
0x1: {  	s0 =	srdreg.scid;
	s22 =	stileid.u32  }
0x2: {  	s1 =	simm.s32 $0x0;
	s2 =	sand.u32 $0x1, s0;
	s0 =	rddreg [dreg:$0x0]  }
0x3: {  	s4 =	smul.u32 $0xA000, s22;
	[smem:$0x7FF] =	sst s1;
	s13 =	sshll.u32 s22, $0xA  }
0x4: {  	s8 =	sshll.u32 s22, $0x11;
	s3 =	smul.u32 $0xA0000, s2;
	s5 =	sadd.s32 $0x1600, s0  }
0x5: {  	s6 =	ssub.s32 $0x2, s2;
	s12 =	sadd.s32 $0x101C00, s0;
	s14 =	sshll.u32 s2, $0xE  }
0x6: {  	s2 =	sshll.u32 s2, $0x15;
	s19 =	sor.u32 $0x100, s13;
	s24 =	sor.u32 $0x200, s13  }
0x7: {  	s30 =	sor.u32 $0x300, s13;
	s7 =	sshrl.u32 s6, $0x1;
	s18 =	sor.u32 s13, s14  }
0x8: {  	s8 =	sor.u32 s8, s2;
	s21 =	sshll.u32 s19, $0x7;
	s16 =	sor.u32 s14, s19  }
0x9: {  	s29 =	sshll.u32 s24, $0x7;
	s19 =	sor.u32 s14, s30;
	s3 =	sadd.s32 s4, s3  }
0xa: {  	s4 =	sadd.s32 $0x2600, s0;
	s7 =	ssub.s32 s6, s7;
	s6 =	sshrl.u32 s18, $0x3  }
0xb: {  	s15 =	sshrl.u32 s8, $0x3;
	s23 =	sor.u32 s2, s21;
	s10 =	sshrl.u32 s16, $0x3  }
0xc: {  	s18 =	sor.u32 s14, s24;
	s8 =	sor.u32 s2, s29;
	s9 =	sadd.s32 s4, s6  }
0xd: {  	s21 =	sshrl.u32 s19, $0x3;
	s20 =	sadd.s32 s12, s15;
	[dreg:$0x5] =	wrdreg s9  }
0xe: {  	s17 =	sshrl.u32 s23, $0x3;
	s25 =	sadd.s32 s4, s10;
	[dreg:$0x6] =	wrdreg s20  }
0xf: {  	s11 =	sshrl.u32 s18, $0x3;
	[dreg:$0x7] =	wrdreg s25;
	s26 =	sadd.s32 s12, s17  }
0x10: {  	s28 =	sadd.s32 s4, s11;
	s9 =	sshll.u32 s30, $0x7;
	s20 =	sshrl.u32 s8, $0x3  }
0x11: {  	s4 =	sadd.s32 s4, s21;
	s8 =	sadd.s32 s5, s6;
	[dreg:$0x8] =	wrdreg s26  }
0x12: {  	s25 =	sadd.s32 $0x79C00, s0;
	[dreg:$0x9] =	wrdreg s28;
	s2 =	sor.u32 s2, s9  }
0x13: {  	[dreg:$0xa] =	wrdreg s4;
	s9 =	sadd.s32 s5, s10;
	s6 =	sadd.s32 s12, s20  }
0x14: {  	s10 =	sadd.s32 s5, s11;
	s30 =	sadd.s32 s25, s16;
	[dreg:$0xb] =	wrdreg s6  }
0x15: {  	s11 =	sadd.s32 s5, s21;
	s4 =	sadd.s32 s25, s18;
	[dreg:$0x12] =	wrdreg s30  }
0x16: {  	s21 =	sadd.s32 $0x81C00, s0;
	s5 =	sadd.s32 s25, s19;
	[dreg:$0x13] =	wrdreg s4  }
0x17: {  	s7 =	smax.u32 s7, $0x1;
	s23 =	sadd.s32 s21, s15;
	[dreg:$0x14] =	wrdreg s5  }
0x18: {  	s28 =	sadd.s32 s25, s13;
	s24 =	sadd.s32 s21, s17;
	[dreg:$0xd] =	wrdreg s23  }
0x19: {  	s13 =	smul.u32 $0x50000, s22;
	s26 =	sadd.s32 s21, s20;
	[dreg:$0xe] =	wrdreg s24  }
0x1a: {  	s16 =	sadd.s32 $0x79800, s0;
	s29 =	sadd.s32 s14, s28;
	[dreg:$0xf] =	wrdreg s26  }
0x1b: {  	s2 =	sshrl.u32 s2, $0x3;
	s6 =	smul.u32 $0x280, s22;
	[dreg:$0x11] =	wrdreg s29  }
0x1c: {  	s12 =	sadd.s32 s12, s2;
	s2 =	sadd.s32 s21, s2;
	s21 =	rddreg [dreg:$0x2]  }
0x1d: {  	s15 =	smul.u32 $0x5000, s22;
	s24 =	rddreg [dreg:$0x3];
	s26 =	sadd.s32 $0x2B600, s0  }
0x1e: {  	s17 =	sshrl.u32 s13, $0x2;
	s13 =	simm.s32 $0x15600;
	[dreg:$0xc] =	wrdreg s12  }
0x1f: {  	[dreg:$0x10] =	wrdreg s2;
	s12 =	sshrl.u32 s3, $0x3;
	s18 =	sshrl.u32 s15, $0x2  }
0x20: {  	s19 =	sadd.s32 $0x80, s6;
	s22 =	sadd.s32 $0x100, s6;
	s25 =	sadd.s32 $0x180, s6  }
0x21: {  	s29 =	sadd.s32 $0x200, s6;
	s15 =	simm.s32 $0x1D600;
	_ =	strace $0x80000047  }
0x22: {  	s14 =	sadd.s32 s12, s0;
	[dreg:$0x15] =	wrdreg s16;
	s0 =	sadd.s32 $0x79A00, s0  }
0x23: {  	s31 =	sadd.s32 s18, s24;
	s20 =	sshll.u32 s19, $0x7;
	s2 =	sshll.u32 s19, $0x3  }
0x24: {  	s23 =	sshll.u32 s22, $0x7;
	s28 =	sshll.u32 s25, $0x7;
	s5 =	sshll.u32 s25, $0x3  }
0x25: {  	s30 =	sshll.u32 s29, $0x7;
	s6 =	sshll.u32 s29, $0x3;
	s16 =	simm.s32 $0x15400  }
0x26: {  	s18 =	simm.s32 $0x100;
	[dreg:$0x16] =	wrdreg s0;
	s0 =	sadd.s32 s17, s21  }
0x27: {  	s19 =	sadd.s32 s20, s21;
	s17 =	sadd.s32 s23, s21;
	s3 =	sadd.s32 s28, s21  }
0x28: {  	s4 =	sadd.s32 s5, s24;
	s5 =	sadd.s32 s30, s21;
	s6 =	sadd.s32 s6, s24  }
0x29: {  	s12 =	sadd.s32 $0x3600, s14;
	s14 =	simm.s32 $0x2;
	s20 =	simm.s32 $0x1  }
0x2a: {  	[dreg:$0x17] =	wrdreg s0;
	s0 =	sadd.s32 s2, s24;
	s2 =	sshll.u32 s22, $0x3  }
0x2b: {  	s23 =	simm.s32 $0x0;
	s22 =	simm.s32 $0x15500;
	s2 =	sadd.s32 s2, s24  }
.LBB2_1:
0x2c: {  	s25 =	rddreg [dreg:$0x1]  }
0x2d: {  	[tilespmem:s13], [sflag:$0x2] =	stream.linear.gather [hbm4b:s25+s1], $0x4000, $0x38;
	[tilespmem:$0x1DE00] =	vst v63  }
0x2e: {  	_ =	swait.ge [sflag:s14], $0x4000  }
0x2f: {  	[sflag:s14] =	ssyncset.done $0x0  }
0x30: {  	s29 =	rddreg [dreg:$0x15];
	[sflag:s14] =	ssyncadd.s32 $0xFFFFC000  }
0x31: {  	[tilespmem:s15], [sflag:$0x2] =	stream.linear.gather [hbm4b:s29+s1], $0x400, $0x38;
	[tilespmem:$0x1DE00] =	vst v63  }
0x32: {  	_ =	swait.ge [sflag:s14], $0x400  }
0x33: {  	[sflag:s14] =	ssyncset.done $0x0  }
0x34: {  	s30 =	rddreg [dreg:$0x17];
	[sflag:s14] =	ssyncadd.s32 $0xFFFFFC00  }
0x35: {  	[spmem:s30] =	stream.linear.scatter [tilespmem:s13], [sflag:$0x2], $0x4000, $0x38;
	[tilespmem:$0x1DE00] =	vst v63  }
0x36: {  	_ =	swait.ge [sflag:s14], $0x4000  }
0x37: {  	[sflag:s14] =	ssyncset.done $0x0  }
0x38: {  	[sflag:s14] =	ssyncadd.s32 $0xFFFFC000  }
0x39: {  	[spmem:s31] =	stream.linear.scatter [tilespmem:s15], [sflag:$0x2], $0x400, $0x38;
	[tilespmem:$0x1DE00] =	vst v63  }
0x3a: {  	_ =	swait.ge [sflag:s14], $0x400  }
0x3b: {  	[sflag:s14] =	ssyncset.done $0x0  }
0x3c: {  	[sflag:s14] =	ssyncadd.s32 $0xFFFFFC00  }
0x3d: {  	[spmem:s19] =	stream.linear.scatter [tilespmem:s13], [sflag:$0x2], $0x4000, $0x38;
	[tilespmem:$0x1DE00] =	vst v63  }
0x3e: {  	_ =	swait.ge [sflag:s14], $0x4000  }
0x3f: {  	[sflag:s14] =	ssyncset.done $0x0  }
0x40: {  	[sflag:s14] =	ssyncadd.s32 $0xFFFFC000  }
0x41: {  	[spmem:s0] =	stream.linear.scatter [tilespmem:s15], [sflag:$0x2], $0x400, $0x38;
	[tilespmem:$0x1DE00] =	vst v63  }
0x42: {  	_ =	swait.ge [sflag:s14], $0x400  }
0x43: {  	[sflag:s14] =	ssyncset.done $0x0  }
0x44: {  	[sflag:s14] =	ssyncadd.s32 $0xFFFFFC00  }
0x45: {  	[spmem:s17] =	stream.linear.scatter [tilespmem:s13], [sflag:$0x2], $0x4000, $0x38;
	[tilespmem:$0x1DE00] =	vst v63  }
0x46: {  	_ =	swait.ge [sflag:s14], $0x4000  }
0x47: {  	[sflag:s14] =	ssyncset.done $0x0  }
0x48: {  	[sflag:s14] =	ssyncadd.s32 $0xFFFFC000  }
0x49: {  	[spmem:s2] =	stream.linear.scatter [tilespmem:s15], [sflag:$0x2], $0x400, $0x38;
	[tilespmem:$0x1DE00] =	vst v63  }
0x4a: {  	_ =	swait.ge [sflag:s14], $0x400  }
0x4b: {  	[sflag:s14] =	ssyncset.done $0x0  }
0x4c: {  	[sflag:s14] =	ssyncadd.s32 $0xFFFFFC00  }
0x4d: {  	[spmem:s3] =	stream.linear.scatter [tilespmem:s13], [sflag:$0x2], $0x4000, $0x38;
	[tilespmem:$0x1DE00] =	vst v63  }
0x4e: {  	_ =	swait.ge [sflag:s14], $0x4000  }
0x4f: {  	[sflag:s14] =	ssyncset.done $0x0  }
0x50: {  	[sflag:s14] =	ssyncadd.s32 $0xFFFFC000  }
0x51: {  	[spmem:s4] =	stream.linear.scatter [tilespmem:s15], [sflag:$0x2], $0x400, $0x38;
	[tilespmem:$0x1DE00] =	vst v63  }
0x52: {  	_ =	swait.ge [sflag:s14], $0x400  }
0x53: {  	[sflag:s14] =	ssyncset.done $0x0  }
0x54: {  	[sflag:s14] =	ssyncadd.s32 $0xFFFFFC00  }
0x55: {  	[spmem:s5] =	stream.linear.scatter [tilespmem:s13], [sflag:$0x2], $0x4000, $0x38;
	[tilespmem:$0x1DE00] =	vst v63  }
0x56: {  	_ =	swait.ge [sflag:s14], $0x4000  }
0x57: {  	[sflag:s14] =	ssyncset.done $0x0  }
0x58: {  	[sflag:s14] =	ssyncadd.s32 $0xFFFFC000  }
0x59: {  	[spmem:s6] =	stream.linear.scatter [tilespmem:s15], [sflag:$0x2], $0x400, $0x38;
	[tilespmem:$0x1DE00] =	vst v63  }
0x5a: {  	_ =	swait.ge [sflag:s14], $0x400  }
0x5b: {  	[sflag:s14] =	ssyncset.done $0x0  }
0x5c: {  	s29 =	rddreg [dreg:$0x16];
	[sflag:s14] =	ssyncadd.s32 $0xFFFFFC00  }
0x5d: {  	[tilespmem:s15], [sflag:$0x2] =	stream.linear.gather [hbm4b:s29+s1], $0x800, $0x38;
	[tilespmem:$0x1DE00] =	vst v63  }
0x5e: {  	_ =	swait.ge [sflag:s14], $0x800  }
0x5f: {  	[sflag:s14] =	ssyncset.done $0x0  }
0x60: {  	[sflag:s14] =	ssyncadd.s32 $0xFFFFF800  }
0x61: {  	s30 =	sadd.s32 $0x0, s12;
	[bflag:$0x0] =	sbarrier.arrive $0xFFFF  }
0x62: {  	[tilespmem:s16], [sflag:$0x2] =	stream.linear.gather [hbm4b:s30+s1], $0x200, $0x38;
	[tilespmem:$0x1DE00] =	vst v63  }
0x63: {  	_ =	swait.ge [sflag:s14], $0x200  }
0x64: {  	[sflag:s14] =	ssyncset.done $0x0  }
0x65: {  	[sflag:s14] =	ssyncadd.s32 $0xFFFFFE00  }
0x66: {  	[tilespmem:s13], [sflag:$0x1] =	stream.indirect.gather [hbm4b:s26+s18], $0x80, s16, s18, $0xb8;
	[tilespmem:$0x1DE00] =	vst v63  }
0x67: {  	_ =	swait.ge [sflag:s20], $0x8000  }
0x68: {  	[sflag:s20] =	ssyncset.done $0x0  }
0x69: {  	[sflag:s20] =	ssyncadd.s32 $0xFFFF8000  }
0x6a: {  	[spmem:s21] =	stream.indirect.scatter.add.f32 [tilespmem:s13], [sflag:$0x2], $0x80, s22, s18, $0xb8;
	[tilespmem:$0x1DE00] =	vst v63  }
0x6b: {  	_ =	swait.ge [sflag:s14], $0x8000  }
0x6c: {  	[sflag:s14] =	ssyncset.done $0x0  }
0x6d: {  	[sflag:s14] =	ssyncadd.s32 $0xFFFF8000  }
0x6e: {  	[spmem:s24] =	stream.indirect.scatter.add.f32 [tilespmem:s15], [sflag:$0x2], $0x8, s22, s18, $0xb8;
	[tilespmem:$0x1DE00] =	vst v63  }
0x6f: {  	_ =	swait.ge [sflag:s14], $0x800  }
0x70: {  	s28 =	simm.s32 $0x80;
	s25 =	simm.s32 $0x40;
	[sflag:s14] =	ssyncset.done $0x0  }
.LBB2_2:
0x71: {  	s29 =	sadd.s32 s25, s12  }
0x72: {  	[sflag:s14] =	ssyncadd.s32 $0xFFFFF800;
	s25 =	smov.u32 s28;
	s30 =	sadd.s32 $0x40, s28  }
0x73: {  	[tilespmem:s16], [sflag:$0x2] =	stream.linear.gather [hbm4b:s29+s1], $0x200, $0x38;
	[tilespmem:$0x1DE00] =	vst v63  }
0x74: {  	p0 =	sne.s32 s28, $0x13C0;
	_ =	swait.ge [sflag:s14], $0x200  }
0x75: {  	[sflag:s14] =	ssyncset.done $0x0  }
0x76: {  	[sflag:s14] =	ssyncadd.s32 $0xFFFFFE00  }
0x77: {  	[tilespmem:s13], [sflag:$0x1] =	stream.indirect.gather [hbm4b:s26+s18], $0x80, s16, s18, $0xb8;
	[tilespmem:$0x1DE00] =	vst v63  }
0x78: {  	_ =	swait.ge [sflag:s20], $0x8000  }
0x79: {  	[sflag:s20] =	ssyncset.done $0x0  }
0x7a: {  	[sflag:s20] =	ssyncadd.s32 $0xFFFF8000  }
0x7b: {  	[spmem:s21] =	stream.indirect.scatter.add.f32 [tilespmem:s13], [sflag:$0x2], $0x80, s22, s18, $0xb8;
	[tilespmem:$0x1DE00] =	vst v63  }
0x7c: {  	_ =	swait.ge [sflag:s14], $0x8000  }
.Ltmp0:
0x7d: {  	[sflag:s14] =	ssyncset.done $0x0;
	(pc) =	sbr.rel @p0 .LBB2_2-.Ltmp0, $4  }
0x7e: {  	[sflag:s14] =	ssyncadd.s32 $0xFFFF8000  }
0x7f: {  	[spmem:s24] =	stream.indirect.scatter.add.f32 [tilespmem:s15], [sflag:$0x2], $0x8, s22, s18, $0xb8;
	[tilespmem:$0x1DE00] =	vst v63  }
0x80: {  	_ =	swait.ge [sflag:s14], $0x800  }
0x81: {  	s28 =	smov.u32 s30;
	[sflag:s14] =	ssyncset.done $0x0  }
0x82: {  	s25 =	sadd.s32 s25, s12;
	[sflag:s14] =	ssyncadd.s32 $0xFFFFF800  }
0x83: {  	[tilespmem:s16], [sflag:$0x2] =	stream.linear.gather [hbm4b:s25+s1], $0x200, $0x38;
	[tilespmem:$0x1DE00] =	vst v63  }
0x84: {  	_ =	swait.ge [sflag:s14], $0x200  }
0x85: {  	[sflag:s14] =	ssyncset.done $0x0  }
0x86: {  	[sflag:s14] =	ssyncadd.s32 $0xFFFFFE00  }
0x87: {  	[tilespmem:s13], [sflag:$0x1] =	stream.indirect.gather [hbm4b:s26+s18], $0x80, s16, s18, $0xb8;
	[tilespmem:$0x1DE00] =	vst v63  }
0x88: {  	_ =	swait.ge [sflag:s20], $0x8000  }
0x89: {  	[sflag:s20] =	ssyncset.done $0x0  }
0x8a: {  	[sflag:s20] =	ssyncadd.s32 $0xFFFF8000  }
0x8b: {  	[spmem:s21] =	stream.indirect.scatter.add.f32 [tilespmem:s13], [sflag:$0x2], $0x80, s22, s18, $0xb8;
	[tilespmem:$0x1DE00] =	vst v63  }
0x8c: {  	_ =	swait.ge [sflag:s14], $0x8000  }
0x8d: {  	[sflag:s14] =	ssyncset.done $0x0  }
0x8e: {  	[sflag:s14] =	ssyncadd.s32 $0xFFFF8000  }
0x8f: {  	[spmem:s24] =	stream.indirect.scatter.add.f32 [tilespmem:s15], [sflag:$0x2], $0x8, s22, s18, $0xb8;
	[tilespmem:$0x1DE00] =	vst v63  }
0x90: {  	_ =	swait.ge [sflag:s14], $0x800  }
0x91: {  	[sflag:s14] =	ssyncset.done $0x0  }
0x92: {  	s30 =	rddreg [dreg:$0x5];
	[sflag:s14] =	ssyncadd.s32 $0xFFFFF800  }
0x93: {  	[tilespmem:s16], [sflag:$0x2] =	stream.linear.gather [hbm4b:s30+s1], $0x100, $0x38;
	[tilespmem:$0x1DE00] =	vst v63  }
0x94: {  	_ =	swait.ge [sflag:s14], $0x100  }
0x95: {  	[sflag:s14] =	ssyncset.done $0x0  }
0x96: {  	[sflag:s14] =	ssyncadd.s32 $0xFFFFFF00  }
0x97: {  	[tilespmem:s13], [sflag:$0x1] =	stream.indirect.gather [hbm4b:s26+s18], $0x80, s16, s18, $0xb8;
	[tilespmem:$0x1DE00] =	vst v63  }
0x98: {  	_ =	swait.ge [sflag:s20], $0x8000  }
0x99: {  	[sflag:s20] =	ssyncset.done $0x0  }
0x9a: {  	s28 =	rddreg [dreg:$0x6];
	[sflag:s20] =	ssyncadd.s32 $0xFFFF8000  }
0x9b: {  	[hbm4b:s28+s1] =	stream.linear.scatter [tilespmem:s13], [sflag:$0x2], $0x8000, $0x38;
	[tilespmem:$0x1DE00] =	vst v63  }
0x9c: {  	_ =	swait.ge [sflag:s14], $0x8000  }
0x9d: {  	[sflag:s14] =	ssyncset.done $0x0  }
0x9e: {  	s29 =	rddreg [dreg:$0x7];
	[sflag:s14] =	ssyncadd.s32 $0xFFFF8000  }
0x9f: {  	[tilespmem:s16], [sflag:$0x2] =	stream.linear.gather [hbm4b:s29+s1], $0x100, $0x38;
	[tilespmem:$0x1DE00] =	vst v63  }
0xa0: {  	_ =	swait.ge [sflag:s14], $0x100  }
0xa1: {  	[sflag:s14] =	ssyncset.done $0x0  }
0xa2: {  	[sflag:s14] =	ssyncadd.s32 $0xFFFFFF00  }
0xa3: {  	[tilespmem:s13], [sflag:$0x1] =	stream.indirect.gather [hbm4b:s26+s18], $0x80, s16, s18, $0xb8;
	[tilespmem:$0x1DE00] =	vst v63  }
0xa4: {  	_ =	swait.ge [sflag:s20], $0x8000  }
0xa5: {  	[sflag:s20] =	ssyncset.done $0x0  }
0xa6: {  	s30 =	rddreg [dreg:$0x8];
	[sflag:s20] =	ssyncadd.s32 $0xFFFF8000  }
0xa7: {  	[hbm4b:s30+s1] =	stream.linear.scatter [tilespmem:s13], [sflag:$0x2], $0x8000, $0x38;
	[tilespmem:$0x1DE00] =	vst v63  }
0xa8: {  	_ =	swait.ge [sflag:s14], $0x8000  }
0xa9: {  	[sflag:s14] =	ssyncset.done $0x0  }
0xaa: {  	s28 =	rddreg [dreg:$0x9];
	[sflag:s14] =	ssyncadd.s32 $0xFFFF8000  }
0xab: {  	[tilespmem:s16], [sflag:$0x2] =	stream.linear.gather [hbm4b:s28+s1], $0x100, $0x38;
	[tilespmem:$0x1DE00] =	vst v63  }
0xac: {  	_ =	swait.ge [sflag:s14], $0x100  }
0xad: {  	[sflag:s14] =	ssyncset.done $0x0  }
0xae: {  	[sflag:s14] =	ssyncadd.s32 $0xFFFFFF00  }
0xaf: {  	[tilespmem:s13], [sflag:$0x1] =	stream.indirect.gather [hbm4b:s26+s18], $0x80, s16, s18, $0xb8;
	[tilespmem:$0x1DE00] =	vst v63  }
0xb0: {  	_ =	swait.ge [sflag:s20], $0x8000  }
0xb1: {  	[sflag:s20] =	ssyncset.done $0x0  }
0xb2: {  	s29 =	rddreg [dreg:$0xb];
	[sflag:s20] =	ssyncadd.s32 $0xFFFF8000  }
0xb3: {  	[hbm4b:s29+s1] =	stream.linear.scatter [tilespmem:s13], [sflag:$0x2], $0x8000, $0x38;
	[tilespmem:$0x1DE00] =	vst v63  }
0xb4: {  	_ =	swait.ge [sflag:s14], $0x8000  }
0xb5: {  	[sflag:s14] =	ssyncset.done $0x0  }
0xb6: {  	s30 =	rddreg [dreg:$0xa];
	[sflag:s14] =	ssyncadd.s32 $0xFFFF8000  }
0xb7: {  	[tilespmem:s16], [sflag:$0x2] =	stream.linear.gather [hbm4b:s30+s1], $0x100, $0x38;
	[tilespmem:$0x1DE00] =	vst v63  }
0xb8: {  	_ =	swait.ge [sflag:s14], $0x100  }
0xb9: {  	[sflag:s14] =	ssyncset.done $0x0  }
0xba: {  	[sflag:s14] =	ssyncadd.s32 $0xFFFFFF00  }
0xbb: {  	[tilespmem:s13], [sflag:$0x1] =	stream.indirect.gather [hbm4b:s26+s18], $0x80, s16, s18, $0xb8;
	[tilespmem:$0x1DE00] =	vst v63  }
0xbc: {  	_ =	swait.ge [sflag:s20], $0x8000  }
0xbd: {  	[sflag:s20] =	ssyncset.done $0x0  }
0xbe: {  	s28 =	rddreg [dreg:$0xc];
	[sflag:s20] =	ssyncadd.s32 $0xFFFF8000  }
0xbf: {  	[hbm4b:s28+s1] =	stream.linear.scatter [tilespmem:s13], [sflag:$0x2], $0x8000, $0x38;
	[tilespmem:$0x1DE00] =	vst v63  }
0xc0: {  	_ =	swait.ge [sflag:s14], $0x8000  }
0xc1: {  	[sflag:s14] =	ssyncset.done $0x0  }
0xc2: {  	[sflag:s14] =	ssyncadd.s32 $0xFFFF8000  }
0xc3: {  	[bflag:$0x0] =	sbarrier.arrive $0xFFFF  }
0xc4: {  	[tilespmem:s16], [sflag:$0x2] =	stream.linear.gather [hbm4b:s8+s1], $0x100, $0x38;
	[tilespmem:$0x1DE00] =	vst v63  }
0xc5: {  	_ =	swait.ge [sflag:s14], $0x100  }
0xc6: {  	[sflag:s14] =	ssyncset.done $0x0  }
0xc7: {  	[sflag:s14] =	ssyncadd.s32 $0xFFFFFF00  }
0xc8: {  	[tilespmem:s13], [sflag:$0x1] =	stream.indirect.gather [spmem:s21], $0x80, s16, s18, $0xb8;
	[tilespmem:$0x1DE00] =	vst v63  }
0xc9: {  	_ =	swait.ge [sflag:s20], $0x8000  }
0xca: {  	[sflag:s20] =	ssyncset.done $0x0  }
0xcb: {  	s29 =	rddreg [dreg:$0xd];
	[sflag:s20] =	ssyncadd.s32 $0xFFFF8000  }
0xcc: {  	[hbm4b:s29+s1] =	stream.linear.scatter [tilespmem:s13], [sflag:$0x2], $0x8000, $0x38;
	[tilespmem:$0x1DE00] =	vst v63  }
0xcd: {  	_ =	swait.ge [sflag:s14], $0x8000  }
0xce: {  	[sflag:s14] =	ssyncset.done $0x0  }
0xcf: {  	[sflag:s14] =	ssyncadd.s32 $0xFFFF8000  }
0xd0: {  	[tilespmem:s16], [sflag:$0x2] =	stream.linear.gather [hbm4b:s9+s1], $0x100, $0x38;
	[tilespmem:$0x1DE00] =	vst v63  }
0xd1: {  	_ =	swait.ge [sflag:s14], $0x100  }
0xd2: {  	[sflag:s14] =	ssyncset.done $0x0  }
0xd3: {  	[sflag:s14] =	ssyncadd.s32 $0xFFFFFF00  }
0xd4: {  	[tilespmem:s13], [sflag:$0x1] =	stream.indirect.gather [spmem:s21], $0x80, s16, s18, $0xb8;
	[tilespmem:$0x1DE00] =	vst v63  }
0xd5: {  	_ =	swait.ge [sflag:s20], $0x8000  }
0xd6: {  	[sflag:s20] =	ssyncset.done $0x0  }
0xd7: {  	s30 =	rddreg [dreg:$0xe];
	[sflag:s20] =	ssyncadd.s32 $0xFFFF8000  }
0xd8: {  	[hbm4b:s30+s1] =	stream.linear.scatter [tilespmem:s13], [sflag:$0x2], $0x8000, $0x38;
	[tilespmem:$0x1DE00] =	vst v63  }
0xd9: {  	_ =	swait.ge [sflag:s14], $0x8000  }
0xda: {  	[sflag:s14] =	ssyncset.done $0x0  }
0xdb: {  	[sflag:s14] =	ssyncadd.s32 $0xFFFF8000  }
0xdc: {  	[tilespmem:s16], [sflag:$0x2] =	stream.linear.gather [hbm4b:s10+s1], $0x100, $0x38;
	[tilespmem:$0x1DE00] =	vst v63  }
0xdd: {  	_ =	swait.ge [sflag:s14], $0x100  }
0xde: {  	[sflag:s14] =	ssyncset.done $0x0  }
0xdf: {  	[sflag:s14] =	ssyncadd.s32 $0xFFFFFF00  }
0xe0: {  	[tilespmem:s13], [sflag:$0x1] =	stream.indirect.gather [spmem:s21], $0x80, s16, s18, $0xb8;
	[tilespmem:$0x1DE00] =	vst v63  }
0xe1: {  	_ =	swait.ge [sflag:s20], $0x8000  }
0xe2: {  	[sflag:s20] =	ssyncset.done $0x0  }
0xe3: {  	s28 =	rddreg [dreg:$0xf];
	[sflag:s20] =	ssyncadd.s32 $0xFFFF8000  }
0xe4: {  	[hbm4b:s28+s1] =	stream.linear.scatter [tilespmem:s13], [sflag:$0x2], $0x8000, $0x38;
	[tilespmem:$0x1DE00] =	vst v63  }
0xe5: {  	_ =	swait.ge [sflag:s14], $0x8000  }
0xe6: {  	[sflag:s14] =	ssyncset.done $0x0  }
0xe7: {  	[sflag:s14] =	ssyncadd.s32 $0xFFFF8000  }
0xe8: {  	[tilespmem:s16], [sflag:$0x2] =	stream.linear.gather [hbm4b:s11+s1], $0x100, $0x38;
	[tilespmem:$0x1DE00] =	vst v63  }
0xe9: {  	_ =	swait.ge [sflag:s14], $0x100  }
0xea: {  	[sflag:s14] =	ssyncset.done $0x0  }
0xeb: {  	[sflag:s14] =	ssyncadd.s32 $0xFFFFFF00  }
0xec: {  	[tilespmem:s13], [sflag:$0x1] =	stream.indirect.gather [spmem:s21], $0x80, s16, s18, $0xb8;
	[tilespmem:$0x1DE00] =	vst v63  }
0xed: {  	_ =	swait.ge [sflag:s20], $0x8000  }
0xee: {  	[sflag:s20] =	ssyncset.done $0x0  }
0xef: {  	s29 =	rddreg [dreg:$0x10];
	[sflag:s20] =	ssyncadd.s32 $0xFFFF8000  }
0xf0: {  	[hbm4b:s29+s1] =	stream.linear.scatter [tilespmem:s13], [sflag:$0x2], $0x8000, $0x38;
	[tilespmem:$0x1DE00] =	vst v63  }
0xf1: {  	_ =	swait.ge [sflag:s14], $0x8000  }
0xf2: {  	[sflag:s14] =	ssyncset.done $0x0  }
0xf3: {  	[sflag:s14] =	ssyncadd.s32 $0xFFFF8000  }
0xf4: {  	[tilespmem:s16], [sflag:$0x2] =	stream.linear.gather [hbm4b:s8+s1], $0x100, $0x38;
	[tilespmem:$0x1DE00] =	vst v63  }
0xf5: {  	_ =	swait.ge [sflag:s14], $0x100  }
0xf6: {  	[sflag:s14] =	ssyncset.done $0x0  }
0xf7: {  	[sflag:s14] =	ssyncadd.s32 $0xFFFFFF00  }
0xf8: {  	[tilespmem:s15], [sflag:$0x1] =	stream.indirect.gather [spmem:s24], $0x8, s16, s18, $0xb8;
	[tilespmem:$0x1DE00] =	vst v63  }
0xf9: {  	_ =	swait.ge [sflag:s20], $0x800  }
0xfa: {  	[sflag:s20] =	ssyncset.done $0x0  }
0xfb: {  	s30 =	rddreg [dreg:$0x11];
	[sflag:s20] =	ssyncadd.s32 $0xFFFFF800  }
0xfc: {  	[hbm4b:s30+s1] =	stream.linear.scatter [tilespmem:s15], [sflag:$0x2], $0x800, $0x38;
	[tilespmem:$0x1DE00] =	vst v63  }
0xfd: {  	_ =	swait.ge [sflag:s14], $0x800  }
0xfe: {  	[sflag:s14] =	ssyncset.done $0x0  }
0xff: {  	[sflag:s14] =	ssyncadd.s32 $0xFFFFF800  }
0x100: {  	[tilespmem:s16], [sflag:$0x2] =	stream.linear.gather [hbm4b:s9+s1], $0x100, $0x38;
	[tilespmem:$0x1DE00] =	vst v63  }
0x101: {  	_ =	swait.ge [sflag:s14], $0x100  }
0x102: {  	[sflag:s14] =	ssyncset.done $0x0  }
0x103: {  	[sflag:s14] =	ssyncadd.s32 $0xFFFFFF00  }
0x104: {  	[tilespmem:s15], [sflag:$0x1] =	stream.indirect.gather [spmem:s24], $0x8, s16, s18, $0xb8;
	[tilespmem:$0x1DE00] =	vst v63  }
0x105: {  	_ =	swait.ge [sflag:s20], $0x800  }
0x106: {  	[sflag:s20] =	ssyncset.done $0x0  }
0x107: {  	s28 =	rddreg [dreg:$0x12];
	[sflag:s20] =	ssyncadd.s32 $0xFFFFF800  }
0x108: {  	[hbm4b:s28+s1] =	stream.linear.scatter [tilespmem:s15], [sflag:$0x2], $0x800, $0x38;
	[tilespmem:$0x1DE00] =	vst v63  }
0x109: {  	_ =	swait.ge [sflag:s14], $0x800  }
0x10a: {  	[sflag:s14] =	ssyncset.done $0x0  }
0x10b: {  	[sflag:s14] =	ssyncadd.s32 $0xFFFFF800  }
0x10c: {  	[tilespmem:s16], [sflag:$0x2] =	stream.linear.gather [hbm4b:s10+s1], $0x100, $0x38;
	[tilespmem:$0x1DE00] =	vst v63  }
0x10d: {  	_ =	swait.ge [sflag:s14], $0x100  }
0x10e: {  	[sflag:s14] =	ssyncset.done $0x0  }
0x10f: {  	[sflag:s14] =	ssyncadd.s32 $0xFFFFFF00  }
0x110: {  	[tilespmem:s15], [sflag:$0x1] =	stream.indirect.gather [spmem:s24], $0x8, s16, s18, $0xb8;
	[tilespmem:$0x1DE00] =	vst v63  }
0x111: {  	_ =	swait.ge [sflag:s20], $0x800  }
0x112: {  	[sflag:s20] =	ssyncset.done $0x0  }
0x113: {  	s29 =	rddreg [dreg:$0x13];
	[sflag:s20] =	ssyncadd.s32 $0xFFFFF800  }
0x114: {  	[hbm4b:s29+s1] =	stream.linear.scatter [tilespmem:s15], [sflag:$0x2], $0x800, $0x38;
	[tilespmem:$0x1DE00] =	vst v63  }
0x115: {  	_ =	swait.ge [sflag:s14], $0x800  }
0x116: {  	[sflag:s14] =	ssyncset.done $0x0  }
0x117: {  	[sflag:s14] =	ssyncadd.s32 $0xFFFFF800  }
0x118: {  	[tilespmem:s16], [sflag:$0x2] =	stream.linear.gather [hbm4b:s11+s1], $0x100, $0x38;
	[tilespmem:$0x1DE00] =	vst v63  }
0x119: {  	_ =	swait.ge [sflag:s14], $0x100  }
0x11a: {  	[sflag:s14] =	ssyncset.done $0x0  }
0x11b: {  	[sflag:s14] =	ssyncadd.s32 $0xFFFFFF00  }
0x11c: {  	[tilespmem:s15], [sflag:$0x1] =	stream.indirect.gather [spmem:s24], $0x8, s16, s18, $0xb8;
	[tilespmem:$0x1DE00] =	vst v63  }
0x11d: {  	s23 =	sadd.s32 $0x1, s23;
	_ =	swait.ge [sflag:s20], $0x800  }
0x11e: {  	p0 =	sne.s32 s23, s7;
	[sflag:s20] =	ssyncset.done $0x0  }
.Ltmp1:
0x11f: {  	s30 =	rddreg [dreg:$0x14];
	[sflag:s20] =	ssyncadd.s32 $0xFFFFF800;
	(pc) =	sbr.rel @p0 .LBB2_1-.Ltmp1, $4  }
0x120: {  	[hbm4b:s30+s1] =	stream.linear.scatter [tilespmem:s15], [sflag:$0x2], $0x800, $0x38;
	[tilespmem:$0x1DE00] =	vst v63  }
0x121: {  	_ =	swait.ge [sflag:s14], $0x800  }
0x122: {  	[sflag:s14] =	ssyncset.done $0x0  }
0x123: {  	[sflag:s14] =	ssyncadd.s32 $0xFFFFF800  }
0x124: {  	_ =	sfence.sel $0x180000  }
0x125: {  	[bflag:$0x0] =	sbarrier.arrive $0xFFFF  }
0x126: {  	_ =	strace $0x90000047  }
0x127: {  	s0 =	stileid.u32;
	[bflag:$0x2] =	sbarrier.arrive $0xFFFF  }
0x128: {  	p0 =	sne.s32 s0, $0x0;
	s0 =	rddreg [dreg:$0x4]  }
0x129: {  	s0 =	sadd.s32 @!p0 $0x100000, s0  }
0x12a: {  	[sflag:s0] =	ssyncadd.tile.s32 @!p0 $0x1;
	_ =	shalt  }
.Lfunc_end2:
_tile_overlayer_lowered:
.L_overlay_start_2:
0x12b: {  	(tag) =	ssettag $0x2  }
0x12c: {  	s0 =	rddreg [dreg:$0x0];
	s2 =	stileid.u32  }
0x12d: {  	s1 =	rddreg [dreg:$0x1];
	p0 =	sne.s32 s2, $0x0  }
0x12e: {  	s3 =	rddreg [dreg:$0x2];
	[bflag:$0x3] =	sbarrier.arrive $0xFFFF;
	s2 =	simm.s32 @!p0 $0x1C02  }
0x12f: {  	[timem:s3], [sflag:s2] =	dma.local @!p0 [hbm:s0], s1  }
0x130: {  	s0 =	simm.s32 @!p0 $0x2  }
0x131: {  	_ =	swait.ge @!p0 [sflag:s0], s1  }
0x132: {  	s1 =	ssub.s32 @!p0 $0x0, s1;
	[sflag:s0] =	ssyncset.done @!p0 $0x0  }
0x133: {  	[sflag:s0] =	ssyncadd.s32 @!p0 s1  }
0x134: {  	[bflag:$0x3] =	sbarrier.arrive $0xFFFF  }
0x135: {  	_ =	shalt  }

</sc_bundles>
